<compile_context>
chip_gen: v7x
topology: tpu7x:2x2x1
jax: 0.10.2.dev20260603
libtpu: 0.0.44.dev20260713+nightly
codegen_flags: <defaults>
</compile_context>

<pallas_src>
import functools

import jax
import jax.numpy as jnp
from jax import lax
from jax.experimental import pallas as pl
from jax.experimental.pallas import tpu as pltpu
from jax.experimental.pallas import tpu_sc as plsc

_CUT_COEF = (1.0, -4.9348011, 4.0586948, -1.3351585,
             0.23502980, -0.025358984, 0.0015939107)


def _rsqrt(x):
    i = plsc.bitcast(x, jnp.int32)
    y = plsc.bitcast(jnp.int32(0x5F3759DF) - (i >> 1), jnp.float32)
    for _ in range(3):
        y = y * (1.5 - 0.5 * x * y * y)
    return y


def _cutoff_sq(s, cut2):
    u = s * (1.0 / cut2)
    acc = jnp.full_like(u, _CUT_COEF[-1])
    for c in _CUT_COEF[-2::-1]:
        acc = acc * u + c
    val = 0.5 * acc + 0.5
    return jnp.where(s < cut2, val, 0.0)


def _build(B, A, T, NN, E):
    info = plsc.get_sparse_core_info()
    NC, NS, L = info.num_cores, info.num_subcores, info.num_lanes
    NW = NC * NS
    ROWS = B * A
    RPW = ROWS // NW
    GROUPS = RPW // L
    CUT2 = 25.0

    mesh = plsc.VectorSubcoreMesh(core_axis_name="c", subcore_axis_name="s")

    @functools.partial(
        pl.kernel, mesh=mesh,
        out_type=jax.ShapeDtypeStruct((B, A * 2 * E), jnp.float32),
        compiler_params=pltpu.CompilerParams(needs_layout_passes=False),
        scratch_types=[
            pltpu.VMEM((A * 3,), jnp.float32),
            pltpu.VMEM((A,), jnp.int32),
            pltpu.VMEM((128,), jnp.float32),
            pltpu.VMEM((L * T,), jnp.int32),
            pltpu.VMEM((L * T,), jnp.int32),
            pltpu.VMEM((L * T,), jnp.int32),
            pltpu.VMEM((L * T,), jnp.int32),
            pltpu.VMEM((L * T,), jnp.float32),
            pltpu.VMEM((L * NN * 3,), jnp.float32),
            pltpu.VMEM((3 * L * NN,), jnp.float32),
            pltpu.VMEM((RPW * 2 * E,), jnp.float32),
        ],
    )
    def behler_g2(pos_h, aux_h, mask_h, offs_h, nj_h, nk_h, oj_h,
                  ok_h, z_h, out_h, pos_v, z_v, aux_v, nj_v, nk_v,
                  oj_v, ok_v, mask_v, offr_v, offc_v, out_v):
        wid = lax.axis_index("s") * NC + lax.axis_index("c")
        row0 = wid * RPW
        b = row0 // A
        a0 = row0 - b * A

        pltpu.sync_copy(pos_h.at[b], pos_v)
        pltpu.sync_copy(z_h.at[b], z_v)
        pltpu.sync_copy(aux_h.at[b], aux_v)

        lane = jnp.arange(L, dtype=jnp.int32)
        zero = jnp.zeros((L,), jnp.int32)

        zf = jnp.zeros((L,), jnp.float32)
        v0 = aux_v[pl.ds(0, L)]
        cell_s = [[zf + v0[3 * d + c] for c in range(3)] for d in range(3)]
        neta = [zf - v0[9 + e] for e in range(E)]

        def group_body(g, _):
            ab = a0 + g * L
            pltpu.sync_copy(nj_h.at[b, pl.ds(ab * T, L * T)], nj_v)
            pltpu.sync_copy(nk_h.at[b, pl.ds(ab * T, L * T)], nk_v)
            pltpu.sync_copy(oj_h.at[b, pl.ds(ab * T, L * T)], oj_v)
            pltpu.sync_copy(ok_h.at[b, pl.ds(ab * T, L * T)], ok_v)
            pltpu.sync_copy(mask_h.at[b, pl.ds(ab * T, L * T)], mask_v)
            pltpu.sync_copy(offs_h.at[b, pl.ds(ab * NN * 3, L * NN * 3)],
                            offr_v)

            def off_body(p, _):
                pv3 = (p * L + lane) * 3
                ox = plsc.load_gather(offr_v, [pv3])
                oy = plsc.load_gather(offr_v, [pv3 + 1])
                oz = plsc.load_gather(offr_v, [pv3 + 2])
                for c in range(3):
                    val = (ox * cell_s[0][c] + oy * cell_s[1][c]
                           + oz * cell_s[2][c])
                    offc_v[pl.ds(c * L * NN + p * L, L)] = val
                return 0

            lax.fori_loop(0, (L * NN) // L, off_body, 0)

            civ3 = (ab + lane) * 3
            pix = plsc.load_gather(pos_v, [civ3])
            piy = plsc.load_gather(pos_v, [civ3 + 1])
            piz = plsc.load_gather(pos_v, [civ3 + 2])

            def t_body(t, accs):
                lt = lane * T + t
                njv = plsc.load_gather(nj_v, [lt])
                nkv = plsc.load_gather(nk_v, [lt])
                ojv = plsc.load_gather(oj_v, [lt])
                okv = plsc.load_gather(ok_v, [lt])
                mkv = plsc.load_gather(mask_v, [lt])

                nj3 = njv * 3
                nk3 = nkv * 3
                pjx = plsc.load_gather(pos_v, [nj3])
                pjy = plsc.load_gather(pos_v, [nj3 + 1])
                pjz = plsc.load_gather(pos_v, [nj3 + 2])
                pkx = plsc.load_gather(pos_v, [nk3])
                pky = plsc.load_gather(pos_v, [nk3 + 1])
                pkz = plsc.load_gather(pos_v, [nk3 + 2])
                zj = plsc.load_gather(z_v, [njv]).astype(jnp.float32)
                zk = plsc.load_gather(z_v, [nkv]).astype(jnp.float32)

                fj = lane * NN + ojv
                fk = lane * NN + okv
                pjx = pjx + plsc.load_gather(offc_v, [fj])
                pjy = pjy + plsc.load_gather(offc_v, [fj + L * NN])
                pjz = pjz + plsc.load_gather(offc_v, [fj + 2 * L * NN])
                pkx = pkx + plsc.load_gather(offc_v, [fk])
                pky = pky + plsc.load_gather(offc_v, [fk + L * NN])
                pkz = pkz + plsc.load_gather(offc_v, [fk + 2 * L * NN])

                djx, djy, djz = pjx - pix, pjy - piy, pjz - piz
                dkx, dky, dkz = pkx - pix, pky - piy, pkz - piz
                dx, dy, dz = pjx - pkx, pjy - pky, pjz - pkz
                sij = djx * djx + djy * djy + djz * djz + 1e-12
                sik = dkx * dkx + dky * dky + dkz * dkz + 1e-12
                sjk = dx * dx + dy * dy + dz * dz + 1e-12

                ssum = sij + sik
                S = ssum + sjk
                cost = (ssum - sjk) * 0.5 * _rsqrt(sij * sik)
                w = ((1.0 - cost) * zj * zk
                     * _cutoff_sq(sij, CUT2) * _cutoff_sq(sik, CUT2)
                     * _cutoff_sq(sjk, CUT2))
                w = jnp.where(mkv == 0.0, 0.0, w)
                return tuple(accs[e] + w * jnp.exp(neta[e] * S)
                             for e in range(E))

            accs = lax.fori_loop(0, T, t_body, (zf,) * E)

            r2e = (g * L + lane) * (2 * E)
            for e in range(E):
                plsc.store_scatter(out_v, [r2e + (2 * e)], accs[e])
                plsc.store_scatter(out_v, [r2e + (2 * e + 1)], 4.0 * accs[e])
            return 0

        lax.fori_loop(0, GROUPS, group_body, 0)
        pltpu.sync_copy(out_v, out_h.at[b, pl.ds(a0 * 2 * E, RPW * 2 * E)])

    return behler_g2


def kernel(positions, cell, mask_triples, offsets, etas, neighbors_j,
           neighbors_k, offsets_j, offsets_k, atomic_numbers):
    B, A, T = neighbors_j.shape
    NN = offsets.shape[2]
    E = etas.shape[0]
    fn = _build(B, A, T, NN, E)
    aux = jnp.concatenate(
        [cell.reshape(B, 9), jnp.broadcast_to(etas, (B, E)),
         jnp.zeros((B, 128 - 9 - E), jnp.float32)], axis=1)
    out = fn(positions.reshape(B, A * 3), aux,
             mask_triples.reshape(B, A * T), offsets.reshape(B, A * NN * 3),
             neighbors_j.astype(jnp.int32).reshape(B, A * T),
             neighbors_k.astype(jnp.int32).reshape(B, A * T),
             offsets_j.astype(jnp.int32).reshape(B, A * T),
             offsets_k.astype(jnp.int32).reshape(B, A * T),
             atomic_numbers.astype(jnp.int32))
    return out.reshape(B, A, 2 * E)

# --- scband reference (transcript-rebuilt; emitter-appended) ---
"""Pipeline reference for scband-behler-g2-62328565399850 (READ-ONLY COPY).

The authoritative reference and input builder live on the scoring server;
editing this copy changes nothing except your own understanding.
"""

import jax, jax.numpy as jnp
import numpy as np

B, A, T, NN = 2, 2048, 256, 64
E = 4
CUTOFF = 5.0
ZETAS = jnp.array([1.0], dtype=jnp.float32)


def cosine_cutoff(r):
    return 0.5 * (jnp.cos(jnp.pi * r / CUTOFF) + 1.0) * (r < CUTOFF).astype(r.dtype)


def gather_nbh(feat, nbh):
    # feat [B,A,F], nbh [B,A,T] -> [B,A,T,F]
    return jax.vmap(lambda f, n: f[n])(feat, nbh)


def triple_distances(positions, neighbors_j, neighbors_k, offset_idx_j, offset_idx_k, cell, cell_offsets):
    pos_j = jax.vmap(lambda p, n: p[n])(positions, neighbors_j)  # [B,A,T,3]
    pos_k = jax.vmap(lambda p, n: p[n])(positions, neighbors_k)
    # cell_offsets [B,A,NN,3] bmm cell [B,3,3] -> cartesian offsets [B,A,NN,3]
    off = jnp.einsum('band,bdc->banc', cell_offsets, cell)
    off_j = jax.vmap(jax.vmap(lambda o, i: o[i]))(off, offset_idx_j)  # [B,A,T,3]
    off_k = jax.vmap(jax.vmap(lambda o, i: o[i]))(off, offset_idx_k)
    pos_j = pos_j + off_j
    pos_k = pos_k + off_k
    R_ij = pos_j - positions[:, :, None, :]
    R_ik = pos_k - positions[:, :, None, :]
    R_jk = pos_j - pos_k
    r_ij = jnp.sqrt(jnp.sum(R_ij * R_ij, axis=3) + 1e-12) + 1e-9
    r_ik = jnp.sqrt(jnp.sum(R_ik * R_ik, axis=3) + 1e-12) + 1e-9
    r_jk = jnp.sqrt(jnp.sum(R_jk * R_jk, axis=3) + 1e-12) + 1e-9
    return r_ij, r_ik, r_jk


def setup_inputs(seed: int = 0):
    key = jax.random.key(seed)
    ks = jax.random.split(key, 9)
    positions = jax.random.normal(ks[0], (B, A, 3), dtype=jnp.float32) * 6.0
    cell = 20.0 * jnp.eye(3, dtype=jnp.float32)[None, :, :].repeat(B, axis=0) + 0.01 * jax.random.normal(ks[1], (B, 3, 3), dtype=jnp.float32)
    neighbors_j = jax.random.randint(ks[2], (B, A, T), 0, A)
    neighbors_k = jax.random.randint(ks[3], (B, A, T), 0, A)
    mask_triples = jnp.ones((B, A, T), dtype=jnp.float32)
    offsets = jax.random.randint(ks[4], (B, A, NN, 3), -1, 2).astype(jnp.float32)
    offsets_j = jax.random.randint(ks[5], (B, A, T), 0, NN)
    offsets_k = jax.random.randint(ks[6], (B, A, T), 0, NN)
    atomic_numbers = jax.random.randint(ks[7], (B, A), 1, 100)
    etas = jax.random.uniform(ks[8], (E,), dtype=jnp.float32) + 0.5
    return {"positions": positions, "cell": cell, "mask_triples": mask_triples, "offsets": offsets, "etas": etas, "neighbors_j": neighbors_j, "neighbors_k": neighbors_k, "offsets_j": offsets_j, "offsets_k": offsets_k, "atomic_numbers": atomic_numbers}


def reference(positions, cell, mask_triples, offsets, etas, neighbors_j, neighbors_k, offsets_j, offsets_k, atomic_numbers):
    # z_Embedding.weight = arange(300)[:,None], so embedding(z) == z (as float)
    z_ratio = atomic_numbers.astype(jnp.float32)[:, :, None]  # [B,A,1]
    z_ij = gather_nbh(z_ratio, neighbors_j)  # [B,A,T,1]
    z_ik = gather_nbh(z_ratio, neighbors_k)
    z_ijk = z_ij * z_ik
    r_ij, r_ik, r_jk = triple_distances(positions, neighbors_j, neighbors_k, offsets_j, offsets_k, cell, offsets)
    x = -etas[None, None, None, :] * (r_ij ** 2 + r_ik ** 2 + r_jk ** 2)[..., None]
    cut = cosine_cutoff(r_ij) * cosine_cutoff(r_ik) * cosine_cutoff(r_jk)
    radius_part = jnp.exp(x) * cut[..., None]  # [B,A,T,E]
    cos_theta = (r_ij ** 2 + r_ik ** 2 - r_jk ** 2) / (2.0 * r_ij * r_ik)
    cos_theta = jnp.where(mask_triples == 0.0, 0.0, cos_theta)
    z = ZETAS[None, None, None, :]
    angular_pos = 2.0 ** (1.0 - z) * (1.0 - cos_theta[..., None]) ** z
    angular_neg = 2.0 ** (1.0 + z) * (1.0 - cos_theta[..., None]) ** z
    angular_part = jnp.concatenate((angular_pos, angular_neg), axis=3)  # [B,A,T,2Z]
    m = (mask_triples == 0.0)[..., None]
    angular_part = jnp.where(m, 0.0, angular_part)
    radius_part = jnp.where(m, 0.0, radius_part)
    f = radius_part[..., :, None] * angular_part[..., None, :]  # [B,A,T,E,2Z]
    f = f[..., None] * z_ijk[:, :, :, None, None, :]  # [B,A,T,E,2Z,1]
    f = jnp.sum(f, axis=2).reshape(r_ij.shape[0], r_ij.shape[1], -1)  # [B,A,E*2Z]
    return f


if False:  # reference __main__ guard neutralized (emitter)
    out = reference(**setup_inputs())
    print(out.shape, out.dtype)

if __name__ == "__main__":
    import jax
    _d = setup_inputs()
    print(jax.jit(kernel)(*tuple(_d.values())))

</pallas_src>

<mosaic_0001>
#map = affine_map<(d0, d1) -> (0, 0)>
module attributes {stable_mosaic.version = 14 : i64} {
  func.func @behler_g2(%arg0: i32, %arg1: i32, %arg2: memref<2x6144xf32, #tpu.memory_space<hbm>>, %arg3: memref<2x128xf32, #tpu.memory_space<hbm>>, %arg4: memref<2x524288xf32, #tpu.memory_space<hbm>>, %arg5: memref<2x393216xf32, #tpu.memory_space<hbm>>, %arg6: memref<2x524288xi32, #tpu.memory_space<hbm>>, %arg7: memref<2x524288xi32, #tpu.memory_space<hbm>>, %arg8: memref<2x524288xi32, #tpu.memory_space<hbm>>, %arg9: memref<2x524288xi32, #tpu.memory_space<hbm>>, %arg10: memref<2x2048xi32, #tpu.memory_space<hbm>>, %arg11: memref<2x16384xf32, #tpu.memory_space<hbm>>, %arg12: memref<6144xf32, #tpu.memory_space<vmem>>, %arg13: memref<2048xi32, #tpu.memory_space<vmem>>, %arg14: memref<128xf32, #tpu.memory_space<vmem>>, %arg15: memref<4096xi32, #tpu.memory_space<vmem>>, %arg16: memref<4096xi32, #tpu.memory_space<vmem>>, %arg17: memref<4096xi32, #tpu.memory_space<vmem>>, %arg18: memref<4096xi32, #tpu.memory_space<vmem>>, %arg19: memref<4096xf32, #tpu.memory_space<vmem>>, %arg20: memref<3072xf32, #tpu.memory_space<vmem>>, %arg21: memref<3072xf32, #tpu.memory_space<vmem>>, %arg22: memref<1024xf32, #tpu.memory_space<vmem>>) attributes {dimension_semantics = [#tpu.dimension_semantics<core_parallel>, #tpu.dimension_semantics<subcore_parallel>], iteration_bounds = array<i64: 2, 16>, scalar_prefetch = 0 : i64, scratch_operands = 11 : i64, tpu.core_type = #tpu.core_type<sc_vector_subcore>, window_params = [{transform_indices = #map}, {transform_indices = #map}, {transform_indices = #map}, {transform_indices = #map}, {transform_indices = #map}, {transform_indices = #map}, {transform_indices = #map}, {transform_indices = #map}, {transform_indices = #map}, {transform_indices = #map}]} {
    %mul3A = arith.constant 2 : i32
    %mul3A_0 = arith.muli %arg1, %mul3A : i32
    %add3A = arith.addi %mul3A_0, %arg0 : i32
    %mul3A_1 = arith.constant 128 : i32
    %mul3A_2 = arith.muli %add3A, %mul3A_1 : i32
    %jit3A = arith.constant 2048 : i32
    %div3A = arith.divsi %mul3A_2, %jit3A : i32
    %sign3A = arith.constant 0 : i32
    %sign3A_3 = arith.cmpi sgt, %mul3A_2, %sign3A : i32
    %sign3A_4 = arith.extui %sign3A_3 : i1 to i32
    %sign3A_5 = arith.constant 0 : i32
    %sign3A_6 = arith.cmpi slt, %mul3A_2, %sign3A_5 : i32
    %sign3A_7 = arith.extui %sign3A_6 : i1 to i32
    %sign3A_8 = arith.subi %sign3A_4, %sign3A_7 : i32
    %sign3A_9 = arith.constant 0 : i32
    %sign3A_10 = arith.cmpi sgt, %jit3A, %sign3A_9 : i32
    %sign3A_11 = arith.extui %sign3A_10 : i1 to i32
    %sign3A_12 = arith.constant 0 : i32
    %sign3A_13 = arith.cmpi slt, %jit3A, %sign3A_12 : i32
    %sign3A_14 = arith.extui %sign3A_13 : i1 to i32
    %sign3A_15 = arith.subi %sign3A_11, %sign3A_14 : i32
    %ne3A = arith.cmpi ne, %sign3A_8, %sign3A_15 : i32
    %rem3A = arith.remsi %mul3A_2, %jit3A : i32
    %ne3A_16 = arith.constant 0 : i32
    %ne3A_17 = arith.cmpi ne, %rem3A, %ne3A_16 : i32
    %and3A = arith.andi %ne3A, %ne3A_17 : i1
    %sub3A = arith.constant 1 : i32
    %sub3A_18 = arith.subi %div3A, %sub3A : i32
    %select_n3A = arith.select %and3A, %sub3A_18, %div3A : i32
    %mul3A_19 = arith.constant 2048 : i32
    %mul3A_20 = arith.muli %select_n3A, %mul3A_19 : i32
    %sub3A_21 = arith.subi %mul3A_2, %mul3A_20 : i32
    "tpu.region"() ({
      %run_scoped3A = tpu.sem_alloc : memref<!tpu.dma_semaphore, #tpu.memory_space<semaphore_mem>>
      %dma_start3A = arith.constant 0 : i32
      %dma_start3A_86 = tpu.memref_slice %arg2[%select_n3A, %dma_start3A] : memref<2x6144xf32, #tpu.memory_space<hbm>> -> memref<1x6144xf32, #tpu.memory_space<hbm>>
      %dma_start3A_87 = tpu.memref_squeeze %dma_start3A_86 : memref<1x6144xf32, #tpu.memory_space<hbm>> -> memref<6144xf32, #tpu.memory_space<hbm>>
      %dma_start3A_88 = arith.constant 0 : i32
      %dma_start3A_89 = tpu.memref_slice %arg2[%select_n3A, %dma_start3A_88] : memref<2x6144xf32, #tpu.memory_space<hbm>> -> memref<1x6144xf32, #tpu.memory_space<hbm>>
      %dma_start3A_90 = tpu.memref_squeeze %dma_start3A_89 : memref<1x6144xf32, #tpu.memory_space<hbm>> -> memref<6144xf32, #tpu.memory_space<hbm>>
      tpu.enqueue_dma source(%dma_start3A_90 : memref<6144xf32, #tpu.memory_space<hbm>>) target(%arg12 : memref<6144xf32, #tpu.memory_space<vmem>>) target_semaphore(%run_scoped3A : memref<!tpu.dma_semaphore, #tpu.memory_space<semaphore_mem>>)
      %dma_wait3A = arith.constant 0 : i32
      %dma_wait3A_91 = tpu.memref_slice %arg2[%select_n3A, %dma_wait3A] : memref<2x6144xf32, #tpu.memory_space<hbm>> -> memref<1x6144xf32, #tpu.memory_space<hbm>>
      %dma_wait3A_92 = tpu.memref_squeeze %dma_wait3A_91 : memref<1x6144xf32, #tpu.memory_space<hbm>> -> memref<6144xf32, #tpu.memory_space<hbm>>
      %dma_wait3A_93 = arith.constant 0 : i32
      %dma_wait3A_94 = tpu.memref_slice %arg2[%select_n3A, %dma_wait3A_93] : memref<2x6144xf32, #tpu.memory_space<hbm>> -> memref<1x6144xf32, #tpu.memory_space<hbm>>
      %dma_wait3A_95 = tpu.memref_squeeze %dma_wait3A_94 : memref<1x6144xf32, #tpu.memory_space<hbm>> -> memref<6144xf32, #tpu.memory_space<hbm>>
      tpu.wait_dma2 semaphore(%run_scoped3A : memref<!tpu.dma_semaphore, #tpu.memory_space<semaphore_mem>>) src(%dma_wait3A_95 : memref<6144xf32, #tpu.memory_space<hbm>>) dst(%arg12 : memref<6144xf32, #tpu.memory_space<vmem>>)
      tpu.yield
    }) : () -> ()
    "tpu.region"() ({
      %run_scoped3A = tpu.sem_alloc : memref<!tpu.dma_semaphore, #tpu.memory_space<semaphore_mem>>
      %dma_start3A = arith.constant 0 : i32
      %dma_start3A_86 = tpu.memref_slice %arg10[%select_n3A, %dma_start3A] : memref<2x2048xi32, #tpu.memory_space<hbm>> -> memref<1x2048xi32, #tpu.memory_space<hbm>>
      %dma_start3A_87 = tpu.memref_squeeze %dma_start3A_86 : memref<1x2048xi32, #tpu.memory_space<hbm>> -> memref<2048xi32, #tpu.memory_space<hbm>>
      %dma_start3A_88 = arith.constant 0 : i32
      %dma_start3A_89 = tpu.memref_slice %arg10[%select_n3A, %dma_start3A_88] : memref<2x2048xi32, #tpu.memory_space<hbm>> -> memref<1x2048xi32, #tpu.memory_space<hbm>>
      %dma_start3A_90 = tpu.memref_squeeze %dma_start3A_89 : memref<1x2048xi32, #tpu.memory_space<hbm>> -> memref<2048xi32, #tpu.memory_space<hbm>>
      tpu.enqueue_dma source(%dma_start3A_90 : memref<2048xi32, #tpu.memory_space<hbm>>) target(%arg13 : memref<2048xi32, #tpu.memory_space<vmem>>) target_semaphore(%run_scoped3A : memref<!tpu.dma_semaphore, #tpu.memory_space<semaphore_mem>>)
      %dma_wait3A = arith.constant 0 : i32
      %dma_wait3A_91 = tpu.memref_slice %arg10[%select_n3A, %dma_wait3A] : memref<2x2048xi32, #tpu.memory_space<hbm>> -> memref<1x2048xi32, #tpu.memory_space<hbm>>
      %dma_wait3A_92 = tpu.memref_squeeze %dma_wait3A_91 : memref<1x2048xi32, #tpu.memory_space<hbm>> -> memref<2048xi32, #tpu.memory_space<hbm>>
      %dma_wait3A_93 = arith.constant 0 : i32
      %dma_wait3A_94 = tpu.memref_slice %arg10[%select_n3A, %dma_wait3A_93] : memref<2x2048xi32, #tpu.memory_space<hbm>> -> memref<1x2048xi32, #tpu.memory_space<hbm>>
      %dma_wait3A_95 = tpu.memref_squeeze %dma_wait3A_94 : memref<1x2048xi32, #tpu.memory_space<hbm>> -> memref<2048xi32, #tpu.memory_space<hbm>>
      tpu.wait_dma2 semaphore(%run_scoped3A : memref<!tpu.dma_semaphore, #tpu.memory_space<semaphore_mem>>) src(%dma_wait3A_95 : memref<2048xi32, #tpu.memory_space<hbm>>) dst(%arg13 : memref<2048xi32, #tpu.memory_space<vmem>>)
      tpu.yield
    }) : () -> ()
    "tpu.region"() ({
      %run_scoped3A = tpu.sem_alloc : memref<!tpu.dma_semaphore, #tpu.memory_space<semaphore_mem>>
      %dma_start3A = arith.constant 0 : i32
      %dma_start3A_86 = tpu.memref_slice %arg3[%select_n3A, %dma_start3A] : memref<2x128xf32, #tpu.memory_space<hbm>> -> memref<1x128xf32, #tpu.memory_space<hbm>>
      %dma_start3A_87 = tpu.memref_squeeze %dma_start3A_86 : memref<1x128xf32, #tpu.memory_space<hbm>> -> memref<128xf32, #tpu.memory_space<hbm>>
      %dma_start3A_88 = arith.constant 0 : i32
      %dma_start3A_89 = tpu.memref_slice %arg3[%select_n3A, %dma_start3A_88] : memref<2x128xf32, #tpu.memory_space<hbm>> -> memref<1x128xf32, #tpu.memory_space<hbm>>
      %dma_start3A_90 = tpu.memref_squeeze %dma_start3A_89 : memref<1x128xf32, #tpu.memory_space<hbm>> -> memref<128xf32, #tpu.memory_space<hbm>>
      tpu.enqueue_dma source(%dma_start3A_90 : memref<128xf32, #tpu.memory_space<hbm>>) target(%arg14 : memref<128xf32, #tpu.memory_space<vmem>>) target_semaphore(%run_scoped3A : memref<!tpu.dma_semaphore, #tpu.memory_space<semaphore_mem>>)
      %dma_wait3A = arith.constant 0 : i32
      %dma_wait3A_91 = tpu.memref_slice %arg3[%select_n3A, %dma_wait3A] : memref<2x128xf32, #tpu.memory_space<hbm>> -> memref<1x128xf32, #tpu.memory_space<hbm>>
      %dma_wait3A_92 = tpu.memref_squeeze %dma_wait3A_91 : memref<1x128xf32, #tpu.memory_space<hbm>> -> memref<128xf32, #tpu.memory_space<hbm>>
      %dma_wait3A_93 = arith.constant 0 : i32
      %dma_wait3A_94 = tpu.memref_slice %arg3[%select_n3A, %dma_wait3A_93] : memref<2x128xf32, #tpu.memory_space<hbm>> -> memref<1x128xf32, #tpu.memory_space<hbm>>
      %dma_wait3A_95 = tpu.memref_squeeze %dma_wait3A_94 : memref<1x128xf32, #tpu.memory_space<hbm>> -> memref<128xf32, #tpu.memory_space<hbm>>
      tpu.wait_dma2 semaphore(%run_scoped3A : memref<!tpu.dma_semaphore, #tpu.memory_space<semaphore_mem>>) src(%dma_wait3A_95 : memref<128xf32, #tpu.memory_space<hbm>>) dst(%arg14 : memref<128xf32, #tpu.memory_space<vmem>>)
      tpu.yield
    }) : () -> ()
    %iota3A = tpu.iota {dimensions = array<i32: 0>} : vector<16xi32>
    %broadcast_in_dim3A = arith.constant 0 : i32
    %broadcast_in_dim3A_22 = vector.broadcast %broadcast_in_dim3A : i32 to vector<16xi32>
    %broadcast_in_dim3A_23 = arith.constant 0.000000e+00 : f32
    %broadcast_in_dim3A_24 = vector.broadcast %broadcast_in_dim3A_23 : f32 to vector<16xf32>
    %get3A = arith.constant 0 : index
    %get3A_25 = tpu.vector_load %arg14[%get3A] {strides = array<i32>} : memref<128xf32, #tpu.memory_space<vmem>>, vector<16xf32>,
    %slice3A = vector.extract_strided_slice %get3A_25 {offsets = [0], sizes = [1], strides = [1]} : vector<16xf32> to vector<1xf32>
    %squeeze3A = vector.extract %slice3A[0] : f32 from vector<1xf32>
    %add3A_26 = vector.broadcast %squeeze3A : f32 to vector<16xf32>
    %add3A_27 = arith.addf %broadcast_in_dim3A_24, %add3A_26 : vector<16xf32>
    %slice3A_28 = vector.extract_strided_slice %get3A_25 {offsets = [1], sizes = [1], strides = [1]} : vector<16xf32> to vector<1xf32>
    %squeeze3A_29 = vector.extract %slice3A_28[0] : f32 from vector<1xf32>
    %add3A_30 = vector.broadcast %squeeze3A_29 : f32 to vector<16xf32>
    %add3A_31 = arith.addf %broadcast_in_dim3A_24, %add3A_30 : vector<16xf32>
    %slice3A_32 = vector.extract_strided_slice %get3A_25 {offsets = [2], sizes = [1], strides = [1]} : vector<16xf32> to vector<1xf32>
    %squeeze3A_33 = vector.extract %slice3A_32[0] : f32 from vector<1xf32>
    %add3A_34 = vector.broadcast %squeeze3A_33 : f32 to vector<16xf32>
    %add3A_35 = arith.addf %broadcast_in_dim3A_24, %add3A_34 : vector<16xf32>
    %slice3A_36 = vector.extract_strided_slice %get3A_25 {offsets = [3], sizes = [1], strides = [1]} : vector<16xf32> to vector<1xf32>
    %squeeze3A_37 = vector.extract %slice3A_36[0] : f32 from vector<1xf32>
    %add3A_38 = vector.broadcast %squeeze3A_37 : f32 to vector<16xf32>
    %add3A_39 = arith.addf %broadcast_in_dim3A_24, %add3A_38 : vector<16xf32>
    %slice3A_40 = vector.extract_strided_slice %get3A_25 {offsets = [4], sizes = [1], strides = [1]} : vector<16xf32> to vector<1xf32>
    %squeeze3A_41 = vector.extract %slice3A_40[0] : f32 from vector<1xf32>
    %add3A_42 = vector.broadcast %squeeze3A_41 : f32 to vector<16xf32>
    %add3A_43 = arith.addf %broadcast_in_dim3A_24, %add3A_42 : vector<16xf32>
    %slice3A_44 = vector.extract_strided_slice %get3A_25 {offsets = [5], sizes = [1], strides = [1]} : vector<16xf32> to vector<1xf32>
    %squeeze3A_45 = vector.extract %slice3A_44[0] : f32 from vector<1xf32>
    %add3A_46 = vector.broadcast %squeeze3A_45 : f32 to vector<16xf32>
    %add3A_47 = arith.addf %broadcast_in_dim3A_24, %add3A_46 : vector<16xf32>
    %slice3A_48 = vector.extract_strided_slice %get3A_25 {offsets = [6], sizes = [1], strides = [1]} : vector<16xf32> to vector<1xf32>
    %squeeze3A_49 = vector.extract %slice3A_48[0] : f32 from vector<1xf32>
    %add3A_50 = vector.broadcast %squeeze3A_49 : f32 to vector<16xf32>
    %add3A_51 = arith.addf %broadcast_in_dim3A_24, %add3A_50 : vector<16xf32>
    %slice3A_52 = vector.extract_strided_slice %get3A_25 {offsets = [7], sizes = [1], strides = [1]} : vector<16xf32> to vector<1xf32>
    %squeeze3A_53 = vector.extract %slice3A_52[0] : f32 from vector<1xf32>
    %add3A_54 = vector.broadcast %squeeze3A_53 : f32 to vector<16xf32>
    %add3A_55 = arith.addf %broadcast_in_dim3A_24, %add3A_54 : vector<16xf32>
    %slice3A_56 = vector.extract_strided_slice %get3A_25 {offsets = [8], sizes = [1], strides = [1]} : vector<16xf32> to vector<1xf32>
    %squeeze3A_57 = vector.extract %slice3A_56[0] : f32 from vector<1xf32>
    %add3A_58 = vector.broadcast %squeeze3A_57 : f32 to vector<16xf32>
    %add3A_59 = arith.addf %broadcast_in_dim3A_24, %add3A_58 : vector<16xf32>
    %slice3A_60 = vector.extract_strided_slice %get3A_25 {offsets = [9], sizes = [1], strides = [1]} : vector<16xf32> to vector<1xf32>
    %squeeze3A_61 = vector.extract %slice3A_60[0] : f32 from vector<1xf32>
    %sub3A_62 = vector.broadcast %squeeze3A_61 : f32 to vector<16xf32>
    %sub3A_63 = arith.subf %broadcast_in_dim3A_24, %sub3A_62 : vector<16xf32>
    %slice3A_64 = vector.extract_strided_slice %get3A_25 {offsets = [10], sizes = [1], strides = [1]} : vector<16xf32> to vector<1xf32>
    %squeeze3A_65 = vector.extract %slice3A_64[0] : f32 from vector<1xf32>
    %sub3A_66 = vector.broadcast %squeeze3A_65 : f32 to vector<16xf32>
    %sub3A_67 = arith.subf %broadcast_in_dim3A_24, %sub3A_66 : vector<16xf32>
    %slice3A_68 = vector.extract_strided_slice %get3A_25 {offsets = [11], sizes = [1], strides = [1]} : vector<16xf32> to vector<1xf32>
    %squeeze3A_69 = vector.extract %slice3A_68[0] : f32 from vector<1xf32>
    %sub3A_70 = vector.broadcast %squeeze3A_69 : f32 to vector<16xf32>
    %sub3A_71 = arith.subf %broadcast_in_dim3A_24, %sub3A_70 : vector<16xf32>
    %slice3A_72 = vector.extract_strided_slice %get3A_25 {offsets = [12], sizes = [1], strides = [1]} : vector<16xf32> to vector<1xf32>
    %squeeze3A_73 = vector.extract %slice3A_72[0] : f32 from vector<1xf32>
    %sub3A_74 = vector.broadcast %squeeze3A_73 : f32 to vector<16xf32>
    %sub3A_75 = arith.subf %broadcast_in_dim3A_24, %sub3A_74 : vector<16xf32>
    %scan3A = arith.constant 0 : i32
    %scan3A_76 = arith.constant 0 : i32
    %scan3A_77 = arith.constant 8 : i32
    %scan3A_78 = arith.addi %scan3A_76, %scan3A_77 : i32
    %scan3A_79 = arith.constant 1 : i32
    %scan3A_80 = scf.for %scan3A_86 = %scan3A_76 to %scan3A_78 step %scan3A_79 iter_args(%scan3A_87 = %scan3A) -> (i32)  : i32 {
      %mul3A_88 = arith.constant 16 : i32
      %mul3A_89 = arith.muli %scan3A_86, %mul3A_88 : i32
      %add3A_90 = arith.addi %sub3A_21, %mul3A_89 : i32
      %mul3A_91 = arith.constant 256 : i32
      %mul3A_92 = arith.muli %add3A_90, %mul3A_91 : i32
      "tpu.region"() ({
        %run_scoped3A = tpu.sem_alloc : memref<!tpu.dma_semaphore, #tpu.memory_space<semaphore_mem>>
        %dma_start3A = tpu.memref_slice %arg6[%select_n3A, %mul3A_92] : memref<2x524288xi32, #tpu.memory_space<hbm>> -> memref<1x4096xi32, #tpu.memory_space<hbm>>
        %dma_start3A_175 = tpu.memref_squeeze %dma_start3A : memref<1x4096xi32, #tpu.memory_space<hbm>> -> memref<4096xi32, #tpu.memory_space<hbm>>
        %dma_start3A_176 = tpu.memref_slice %arg6[%select_n3A, %mul3A_92] : memref<2x524288xi32, #tpu.memory_space<hbm>> -> memref<1x4096xi32, #tpu.memory_space<hbm>>
        %dma_start3A_177 = tpu.memref_squeeze %dma_start3A_176 : memref<1x4096xi32, #tpu.memory_space<hbm>> -> memref<4096xi32, #tpu.memory_space<hbm>>
        tpu.enqueue_dma source(%dma_start3A_177 : memref<4096xi32, #tpu.memory_space<hbm>>) target(%arg15 : memref<4096xi32, #tpu.memory_space<vmem>>) target_semaphore(%run_scoped3A : memref<!tpu.dma_semaphore, #tpu.memory_space<semaphore_mem>>)
        %dma_wait3A = tpu.memref_slice %arg6[%select_n3A, %mul3A_92] : memref<2x524288xi32, #tpu.memory_space<hbm>> -> memref<1x4096xi32, #tpu.memory_space<hbm>>
        %dma_wait3A_178 = tpu.memref_squeeze %dma_wait3A : memref<1x4096xi32, #tpu.memory_space<hbm>> -> memref<4096xi32, #tpu.memory_space<hbm>>
        %dma_wait3A_179 = tpu.memref_slice %arg6[%select_n3A, %mul3A_92] : memref<2x524288xi32, #tpu.memory_space<hbm>> -> memref<1x4096xi32, #tpu.memory_space<hbm>>
        %dma_wait3A_180 = tpu.memref_squeeze %dma_wait3A_179 : memref<1x4096xi32, #tpu.memory_space<hbm>> -> memref<4096xi32, #tpu.memory_space<hbm>>
        tpu.wait_dma2 semaphore(%run_scoped3A : memref<!tpu.dma_semaphore, #tpu.memory_space<semaphore_mem>>) src(%dma_wait3A_180 : memref<4096xi32, #tpu.memory_space<hbm>>) dst(%arg15 : memref<4096xi32, #tpu.memory_space<vmem>>)
        tpu.yield
      }) : () -> ()
      %mul3A_93 = arith.constant 256 : i32
      %mul3A_94 = arith.muli %add3A_90, %mul3A_93 : i32
      "tpu.region"() ({
        %run_scoped3A = tpu.sem_alloc : memref<!tpu.dma_semaphore, #tpu.memory_space<semaphore_mem>>
        %dma_start3A = tpu.memref_slice %arg7[%select_n3A, %mul3A_94] : memref<2x524288xi32, #tpu.memory_space<hbm>> -> memref<1x4096xi32, #tpu.memory_space<hbm>>
        %dma_start3A_175 = tpu.memref_squeeze %dma_start3A : memref<1x4096xi32, #tpu.memory_space<hbm>> -> memref<4096xi32, #tpu.memory_space<hbm>>
        %dma_start3A_176 = tpu.memref_slice %arg7[%select_n3A, %mul3A_94] : memref<2x524288xi32, #tpu.memory_space<hbm>> -> memref<1x4096xi32, #tpu.memory_space<hbm>>
        %dma_start3A_177 = tpu.memref_squeeze %dma_start3A_176 : memref<1x4096xi32, #tpu.memory_space<hbm>> -> memref<4096xi32, #tpu.memory_space<hbm>>
        tpu.enqueue_dma source(%dma_start3A_177 : memref<4096xi32, #tpu.memory_space<hbm>>) target(%arg16 : memref<4096xi32, #tpu.memory_space<vmem>>) target_semaphore(%run_scoped3A : memref<!tpu.dma_semaphore, #tpu.memory_space<semaphore_mem>>)
        %dma_wait3A = tpu.memref_slice %arg7[%select_n3A, %mul3A_94] : memref<2x524288xi32, #tpu.memory_space<hbm>> -> memref<1x4096xi32, #tpu.memory_space<hbm>>
        %dma_wait3A_178 = tpu.memref_squeeze %dma_wait3A : memref<1x4096xi32, #tpu.memory_space<hbm>> -> memref<4096xi32, #tpu.memory_space<hbm>>
        %dma_wait3A_179 = tpu.memref_slice %arg7[%select_n3A, %mul3A_94] : memref<2x524288xi32, #tpu.memory_space<hbm>> -> memref<1x4096xi32, #tpu.memory_space<hbm>>
        %dma_wait3A_180 = tpu.memref_squeeze %dma_wait3A_179 : memref<1x4096xi32, #tpu.memory_space<hbm>> -> memref<4096xi32, #tpu.memory_space<hbm>>
        tpu.wait_dma2 semaphore(%run_scoped3A : memref<!tpu.dma_semaphore, #tpu.memory_space<semaphore_mem>>) src(%dma_wait3A_180 : memref<4096xi32, #tpu.memory_space<hbm>>) dst(%arg16 : memref<4096xi32, #tpu.memory_space<vmem>>)
        tpu.yield
      }) : () -> ()
      %mul3A_95 = arith.constant 256 : i32
      %mul3A_96 = arith.muli %add3A_90, %mul3A_95 : i32
      "tpu.region"() ({
        %run_scoped3A = tpu.sem_alloc : memref<!tpu.dma_semaphore, #tpu.memory_space<semaphore_mem>>
        %dma_start3A = tpu.memref_slice %arg8[%select_n3A, %mul3A_96] : memref<2x524288xi32, #tpu.memory_space<hbm>> -> memref<1x4096xi32, #tpu.memory_space<hbm>>
        %dma_start3A_175 = tpu.memref_squeeze %dma_start3A : memref<1x4096xi32, #tpu.memory_space<hbm>> -> memref<4096xi32, #tpu.memory_space<hbm>>
        %dma_start3A_176 = tpu.memref_slice %arg8[%select_n3A, %mul3A_96] : memref<2x524288xi32, #tpu.memory_space<hbm>> -> memref<1x4096xi32, #tpu.memory_space<hbm>>
        %dma_start3A_177 = tpu.memref_squeeze %dma_start3A_176 : memref<1x4096xi32, #tpu.memory_space<hbm>> -> memref<4096xi32, #tpu.memory_space<hbm>>
        tpu.enqueue_dma source(%dma_start3A_177 : memref<4096xi32, #tpu.memory_space<hbm>>) target(%arg17 : memref<4096xi32, #tpu.memory_space<vmem>>) target_semaphore(%run_scoped3A : memref<!tpu.dma_semaphore, #tpu.memory_space<semaphore_mem>>)
        %dma_wait3A = tpu.memref_slice %arg8[%select_n3A, %mul3A_96] : memref<2x524288xi32, #tpu.memory_space<hbm>> -> memref<1x4096xi32, #tpu.memory_space<hbm>>
        %dma_wait3A_178 = tpu.memref_squeeze %dma_wait3A : memref<1x4096xi32, #tpu.memory_space<hbm>> -> memref<4096xi32, #tpu.memory_space<hbm>>
        %dma_wait3A_179 = tpu.memref_slice %arg8[%select_n3A, %mul3A_96] : memref<2x524288xi32, #tpu.memory_space<hbm>> -> memref<1x4096xi32, #tpu.memory_space<hbm>>
        %dma_wait3A_180 = tpu.memref_squeeze %dma_wait3A_179 : memref<1x4096xi32, #tpu.memory_space<hbm>> -> memref<4096xi32, #tpu.memory_space<hbm>>
        tpu.wait_dma2 semaphore(%run_scoped3A : memref<!tpu.dma_semaphore, #tpu.memory_space<semaphore_mem>>) src(%dma_wait3A_180 : memref<4096xi32, #tpu.memory_space<hbm>>) dst(%arg17 : memref<4096xi32, #tpu.memory_space<vmem>>)
        tpu.yield
      }) : () -> ()
      %mul3A_97 = arith.constant 256 : i32
      %mul3A_98 = arith.muli %add3A_90, %mul3A_97 : i32
      "tpu.region"() ({
        %run_scoped3A = tpu.sem_alloc : memref<!tpu.dma_semaphore, #tpu.memory_space<semaphore_mem>>
        %dma_start3A = tpu.memref_slice %arg9[%select_n3A, %mul3A_98] : memref<2x524288xi32, #tpu.memory_space<hbm>> -> memref<1x4096xi32, #tpu.memory_space<hbm>>
        %dma_start3A_175 = tpu.memref_squeeze %dma_start3A : memref<1x4096xi32, #tpu.memory_space<hbm>> -> memref<4096xi32, #tpu.memory_space<hbm>>
        %dma_start3A_176 = tpu.memref_slice %arg9[%select_n3A, %mul3A_98] : memref<2x524288xi32, #tpu.memory_space<hbm>> -> memref<1x4096xi32, #tpu.memory_space<hbm>>
        %dma_start3A_177 = tpu.memref_squeeze %dma_start3A_176 : memref<1x4096xi32, #tpu.memory_space<hbm>> -> memref<4096xi32, #tpu.memory_space<hbm>>
        tpu.enqueue_dma source(%dma_start3A_177 : memref<4096xi32, #tpu.memory_space<hbm>>) target(%arg18 : memref<4096xi32, #tpu.memory_space<vmem>>) target_semaphore(%run_scoped3A : memref<!tpu.dma_semaphore, #tpu.memory_space<semaphore_mem>>)
        %dma_wait3A = tpu.memref_slice %arg9[%select_n3A, %mul3A_98] : memref<2x524288xi32, #tpu.memory_space<hbm>> -> memref<1x4096xi32, #tpu.memory_space<hbm>>
        %dma_wait3A_178 = tpu.memref_squeeze %dma_wait3A : memref<1x4096xi32, #tpu.memory_space<hbm>> -> memref<4096xi32, #tpu.memory_space<hbm>>
        %dma_wait3A_179 = tpu.memref_slice %arg9[%select_n3A, %mul3A_98] : memref<2x524288xi32, #tpu.memory_space<hbm>> -> memref<1x4096xi32, #tpu.memory_space<hbm>>
        %dma_wait3A_180 = tpu.memref_squeeze %dma_wait3A_179 : memref<1x4096xi32, #tpu.memory_space<hbm>> -> memref<4096xi32, #tpu.memory_space<hbm>>
        tpu.wait_dma2 semaphore(%run_scoped3A : memref<!tpu.dma_semaphore, #tpu.memory_space<semaphore_mem>>) src(%dma_wait3A_180 : memref<4096xi32, #tpu.memory_space<hbm>>) dst(%arg18 : memref<4096xi32, #tpu.memory_space<vmem>>)
        tpu.yield
      }) : () -> ()
      %mul3A_99 = arith.constant 256 : i32
      %mul3A_100 = arith.muli %add3A_90, %mul3A_99 : i32
      "tpu.region"() ({
        %run_scoped3A = tpu.sem_alloc : memref<!tpu.dma_semaphore, #tpu.memory_space<semaphore_mem>>
        %dma_start3A = tpu.memref_slice %arg4[%select_n3A, %mul3A_100] : memref<2x524288xf32, #tpu.memory_space<hbm>> -> memref<1x4096xf32, #tpu.memory_space<hbm>>
        %dma_start3A_175 = tpu.memref_squeeze %dma_start3A : memref<1x4096xf32, #tpu.memory_space<hbm>> -> memref<4096xf32, #tpu.memory_space<hbm>>
        %dma_start3A_176 = tpu.memref_slice %arg4[%select_n3A, %mul3A_100] : memref<2x524288xf32, #tpu.memory_space<hbm>> -> memref<1x4096xf32, #tpu.memory_space<hbm>>
        %dma_start3A_177 = tpu.memref_squeeze %dma_start3A_176 : memref<1x4096xf32, #tpu.memory_space<hbm>> -> memref<4096xf32, #tpu.memory_space<hbm>>
        tpu.enqueue_dma source(%dma_start3A_177 : memref<4096xf32, #tpu.memory_space<hbm>>) target(%arg19 : memref<4096xf32, #tpu.memory_space<vmem>>) target_semaphore(%run_scoped3A : memref<!tpu.dma_semaphore, #tpu.memory_space<semaphore_mem>>)
        %dma_wait3A = tpu.memref_slice %arg4[%select_n3A, %mul3A_100] : memref<2x524288xf32, #tpu.memory_space<hbm>> -> memref<1x4096xf32, #tpu.memory_space<hbm>>
        %dma_wait3A_178 = tpu.memref_squeeze %dma_wait3A : memref<1x4096xf32, #tpu.memory_space<hbm>> -> memref<4096xf32, #tpu.memory_space<hbm>>
        %dma_wait3A_179 = tpu.memref_slice %arg4[%select_n3A, %mul3A_100] : memref<2x524288xf32, #tpu.memory_space<hbm>> -> memref<1x4096xf32, #tpu.memory_space<hbm>>
        %dma_wait3A_180 = tpu.memref_squeeze %dma_wait3A_179 : memref<1x4096xf32, #tpu.memory_space<hbm>> -> memref<4096xf32, #tpu.memory_space<hbm>>
        tpu.wait_dma2 semaphore(%run_scoped3A : memref<!tpu.dma_semaphore, #tpu.memory_space<semaphore_mem>>) src(%dma_wait3A_180 : memref<4096xf32, #tpu.memory_space<hbm>>) dst(%arg19 : memref<4096xf32, #tpu.memory_space<vmem>>)
        tpu.yield
      }) : () -> ()
      %mul3A_101 = arith.constant 64 : i32
      %mul3A_102 = arith.muli %add3A_90, %mul3A_101 : i32
      %mul3A_103 = arith.constant 3 : i32
      %mul3A_104 = arith.muli %mul3A_102, %mul3A_103 : i32
      "tpu.region"() ({
        %run_scoped3A = tpu.sem_alloc : memref<!tpu.dma_semaphore, #tpu.memory_space<semaphore_mem>>
        %dma_start3A = tpu.memref_slice %arg5[%select_n3A, %mul3A_104] : memref<2x393216xf32, #tpu.memory_space<hbm>> -> memref<1x3072xf32, #tpu.memory_space<hbm>>
        %dma_start3A_175 = tpu.memref_squeeze %dma_start3A : memref<1x3072xf32, #tpu.memory_space<hbm>> -> memref<3072xf32, #tpu.memory_space<hbm>>
        %dma_start3A_176 = tpu.memref_slice %arg5[%select_n3A, %mul3A_104] : memref<2x393216xf32, #tpu.memory_space<hbm>> -> memref<1x3072xf32, #tpu.memory_space<hbm>>
        %dma_start3A_177 = tpu.memref_squeeze %dma_start3A_176 : memref<1x3072xf32, #tpu.memory_space<hbm>> -> memref<3072xf32, #tpu.memory_space<hbm>>
        tpu.enqueue_dma source(%dma_start3A_177 : memref<3072xf32, #tpu.memory_space<hbm>>) target(%arg20 : memref<3072xf32, #tpu.memory_space<vmem>>) target_semaphore(%run_scoped3A : memref<!tpu.dma_semaphore, #tpu.memory_space<semaphore_mem>>)
        %dma_wait3A = tpu.memref_slice %arg5[%select_n3A, %mul3A_104] : memref<2x393216xf32, #tpu.memory_space<hbm>> -> memref<1x3072xf32, #tpu.memory_space<hbm>>
        %dma_wait3A_178 = tpu.memref_squeeze %dma_wait3A : memref<1x3072xf32, #tpu.memory_space<hbm>> -> memref<3072xf32, #tpu.memory_space<hbm>>
        %dma_wait3A_179 = tpu.memref_slice %arg5[%select_n3A, %mul3A_104] : memref<2x393216xf32, #tpu.memory_space<hbm>> -> memref<1x3072xf32, #tpu.memory_space<hbm>>
        %dma_wait3A_180 = tpu.memref_squeeze %dma_wait3A_179 : memref<1x3072xf32, #tpu.memory_space<hbm>> -> memref<3072xf32, #tpu.memory_space<hbm>>
        tpu.wait_dma2 semaphore(%run_scoped3A : memref<!tpu.dma_semaphore, #tpu.memory_space<semaphore_mem>>) src(%dma_wait3A_180 : memref<3072xf32, #tpu.memory_space<hbm>>) dst(%arg20 : memref<3072xf32, #tpu.memory_space<vmem>>)
        tpu.yield
      }) : () -> ()
      %scan3A_105 = arith.constant 0 : i32
      %scan3A_106 = arith.constant 0 : i32
      %scan3A_107 = arith.constant 64 : i32
      %scan3A_108 = arith.addi %scan3A_106, %scan3A_107 : i32
      %scan3A_109 = arith.constant 1 : i32
      %scan3A_110 = scf.for %scan3A_175 = %scan3A_106 to %scan3A_108 step %scan3A_109 iter_args(%scan3A_176 = %scan3A_105) -> (i32)  : i32 {
        %mul3A_177 = arith.constant 16 : i32
        %mul3A_178 = arith.muli %scan3A_175, %mul3A_177 : i32
        %add3A_179 = vector.broadcast %mul3A_178 : i32 to vector<16xi32>
        %add3A_180 = arith.addi %add3A_179, %iota3A : vector<16xi32>
        %mul3A_181 = arith.constant 3 : i32
        %mul3A_182 = vector.broadcast %mul3A_181 : i32 to vector<16xi32>
        %mul3A_183 = arith.muli %add3A_180, %mul3A_182 : vector<16xi32>
        %gather3A_184 = tpu.vector_load_idx %arg20[%mul3A_183] : memref<3072xf32, #tpu.memory_space<vmem>>[vector<16xi32>], vector<16xf32>,
        %add3A_185 = arith.constant 1 : i32
        %add3A_186 = vector.broadcast %add3A_185 : i32 to vector<16xi32>
        %add3A_187 = arith.addi %mul3A_183, %add3A_186 : vector<16xi32>
        %gather3A_188 = tpu.vector_load_idx %arg20[%add3A_187] : memref<3072xf32, #tpu.memory_space<vmem>>[vector<16xi32>], vector<16xf32>,
        %add3A_189 = arith.constant 2 : i32
        %add3A_190 = vector.broadcast %add3A_189 : i32 to vector<16xi32>
        %add3A_191 = arith.addi %mul3A_183, %add3A_190 : vector<16xi32>
        %gather3A_192 = tpu.vector_load_idx %arg20[%add3A_191] : memref<3072xf32, #tpu.memory_space<vmem>>[vector<16xi32>], vector<16xf32>,
        %mul3A_193 = arith.mulf %gather3A_184, %add3A_27 : vector<16xf32>
        %mul3A_194 = arith.mulf %gather3A_188, %add3A_39 : vector<16xf32>
        %add3A_195 = arith.addf %mul3A_193, %mul3A_194 : vector<16xf32>
        %mul3A_196 = arith.mulf %gather3A_192, %add3A_51 : vector<16xf32>
        %add3A_197 = arith.addf %add3A_195, %mul3A_196 : vector<16xf32>
        %mul3A_198 = arith.constant 16 : i32
        %mul3A_199 = arith.muli %scan3A_175, %mul3A_198 : i32
        %add3A_200 = arith.constant 0 : i32
        %add3A_201 = arith.addi %add3A_200, %mul3A_199 : i32
        %swap3A = arith.index_cast %add3A_201 : i32 to index
        %swap3A_202 = tpu.vector_load %arg21[%swap3A] {strides = array<i32>} : memref<3072xf32, #tpu.memory_space<vmem>>, vector<16xf32>,
        tpu.vector_store %arg21[%swap3A], %add3A_197 {strides = array<i32>} : memref<3072xf32, #tpu.memory_space<vmem>>, vector<16xf32>,
        %mul3A_203 = arith.mulf %gather3A_184, %add3A_31 : vector<16xf32>
        %mul3A_204 = arith.mulf %gather3A_188, %add3A_43 : vector<16xf32>
        %add3A_205 = arith.addf %mul3A_203, %mul3A_204 : vector<16xf32>
        %mul3A_206 = arith.mulf %gather3A_192, %add3A_55 : vector<16xf32>
        %add3A_207 = arith.addf %add3A_205, %mul3A_206 : vector<16xf32>
        %mul3A_208 = arith.constant 16 : i32
        %mul3A_209 = arith.muli %scan3A_175, %mul3A_208 : i32
        %add3A_210 = arith.constant 1024 : i32
        %add3A_211 = arith.addi %add3A_210, %mul3A_209 : i32
        %swap3A_212 = arith.index_cast %add3A_211 : i32 to index
        %swap3A_213 = tpu.vector_load %arg21[%swap3A_212] {strides = array<i32>} : memref<3072xf32, #tpu.memory_space<vmem>>, vector<16xf32>,
        tpu.vector_store %arg21[%swap3A_212], %add3A_207 {strides = array<i32>} : memref<3072xf32, #tpu.memory_space<vmem>>, vector<16xf32>,
        %mul3A_214 = arith.mulf %gather3A_184, %add3A_35 : vector<16xf32>
        %mul3A_215 = arith.mulf %gather3A_188, %add3A_47 : vector<16xf32>
        %add3A_216 = arith.addf %mul3A_214, %mul3A_215 : vector<16xf32>
        %mul3A_217 = arith.mulf %gather3A_192, %add3A_59 : vector<16xf32>
        %add3A_218 = arith.addf %add3A_216, %mul3A_217 : vector<16xf32>
        %mul3A_219 = arith.constant 16 : i32
        %mul3A_220 = arith.muli %scan3A_175, %mul3A_219 : i32
        %add3A_221 = arith.constant 2048 : i32
        %add3A_222 = arith.addi %add3A_221, %mul3A_220 : i32
        %swap3A_223 = arith.index_cast %add3A_222 : i32 to index
        %swap3A_224 = tpu.vector_load %arg21[%swap3A_223] {strides = array<i32>} : memref<3072xf32, #tpu.memory_space<vmem>>, vector<16xf32>,
        tpu.vector_store %arg21[%swap3A_223], %add3A_218 {strides = array<i32>} : memref<3072xf32, #tpu.memory_space<vmem>>, vector<16xf32>,
        %scan3A_225 = arith.constant 0 : i32
        scf.yield %scan3A_225 : i32
      }
      %scan3A_111 = arith.constant 64 : i32
      %add3A_112 = vector.broadcast %add3A_90 : i32 to vector<16xi32>
      %add3A_113 = arith.addi %add3A_112, %iota3A : vector<16xi32>
      %mul3A_114 = arith.constant 3 : i32
      %mul3A_115 = vector.broadcast %mul3A_114 : i32 to vector<16xi32>
      %mul3A_116 = arith.muli %add3A_113, %mul3A_115 : vector<16xi32>
      %gather3A = tpu.vector_load_idx %arg12[%mul3A_116] : memref<6144xf32, #tpu.memory_space<vmem>>[vector<16xi32>], vector<16xf32>,
      %add3A_117 = arith.constant 1 : i32
      %add3A_118 = vector.broadcast %add3A_117 : i32 to vector<16xi32>
      %add3A_119 = arith.addi %mul3A_116, %add3A_118 : vector<16xi32>
      %gather3A_120 = tpu.vector_load_idx %arg12[%add3A_119] : memref<6144xf32, #tpu.memory_space<vmem>>[vector<16xi32>], vector<16xf32>,
      %add3A_121 = arith.constant 2 : i32
      %add3A_122 = vector.broadcast %add3A_121 : i32 to vector<16xi32>
      %add3A_123 = arith.addi %mul3A_116, %add3A_122 : vector<16xi32>
      %gather3A_124 = tpu.vector_load_idx %arg12[%add3A_123] : memref<6144xf32, #tpu.memory_space<vmem>>[vector<16xi32>], vector<16xf32>,
      %scan3A_125 = arith.constant 0 : i32
      %scan3A_126 = arith.constant 256 : i32
      %scan3A_127 = arith.addi %scan3A_125, %scan3A_126 : i32
      %scan3A_128 = arith.constant 1 : i32
      %scan3A_129:4 = scf.for %scan3A_175 = %scan3A_125 to %scan3A_127 step %scan3A_128 iter_args(%scan3A_176 = %broadcast_in_dim3A_24, %scan3A_177 = %broadcast_in_dim3A_24, %scan3A_178 = %broadcast_in_dim3A_24, %scan3A_179 = %broadcast_in_dim3A_24) -> (vector<16xf32>, vector<16xf32>, vector<16xf32>, vector<16xf32>)  : i32 {
        %mul3A_180 = arith.constant 256 : i32
        %mul3A_181 = vector.broadcast %mul3A_180 : i32 to vector<16xi32>
        %mul3A_182 = arith.muli %iota3A, %mul3A_181 : vector<16xi32>
        %add3A_183 = vector.broadcast %scan3A_175 : i32 to vector<16xi32>
        %add3A_184 = arith.addi %mul3A_182, %add3A_183 : vector<16xi32>
        %gather3A_185 = tpu.vector_load_idx %arg15[%add3A_184] : memref<4096xi32, #tpu.memory_space<vmem>>[vector<16xi32>], vector<16xi32>,
        %gather3A_186 = tpu.vector_load_idx %arg16[%add3A_184] : memref<4096xi32, #tpu.memory_space<vmem>>[vector<16xi32>], vector<16xi32>,
        %gather3A_187 = tpu.vector_load_idx %arg17[%add3A_184] : memref<4096xi32, #tpu.memory_space<vmem>>[vector<16xi32>], vector<16xi32>,
        %gather3A_188 = tpu.vector_load_idx %arg18[%add3A_184] : memref<4096xi32, #tpu.memory_space<vmem>>[vector<16xi32>], vector<16xi32>,
        %gather3A_189 = tpu.vector_load_idx %arg19[%add3A_184] : memref<4096xf32, #tpu.memory_space<vmem>>[vector<16xi32>], vector<16xf32>,
        %mul3A_190 = arith.constant 3 : i32
        %mul3A_191 = vector.broadcast %mul3A_190 : i32 to vector<16xi32>
        %mul3A_192 = arith.muli %gather3A_185, %mul3A_191 : vector<16xi32>
        %mul3A_193 = arith.constant 3 : i32
        %mul3A_194 = vector.broadcast %mul3A_193 : i32 to vector<16xi32>
        %mul3A_195 = arith.muli %gather3A_186, %mul3A_194 : vector<16xi32>
        %gather3A_196 = tpu.vector_load_idx %arg12[%mul3A_192] : memref<6144xf32, #tpu.memory_space<vmem>>[vector<16xi32>], vector<16xf32>,
        %add3A_197 = arith.constant 1 : i32
        %add3A_198 = vector.broadcast %add3A_197 : i32 to vector<16xi32>
        %add3A_199 = arith.addi %mul3A_192, %add3A_198 : vector<16xi32>
        %gather3A_200 = tpu.vector_load_idx %arg12[%add3A_199] : memref<6144xf32, #tpu.memory_space<vmem>>[vector<16xi32>], vector<16xf32>,
        %add3A_201 = arith.constant 2 : i32
        %add3A_202 = vector.broadcast %add3A_201 : i32 to vector<16xi32>
        %add3A_203 = arith.addi %mul3A_192, %add3A_202 : vector<16xi32>
        %gather3A_204 = tpu.vector_load_idx %arg12[%add3A_203] : memref<6144xf32, #tpu.memory_space<vmem>>[vector<16xi32>], vector<16xf32>,
        %gather3A_205 = tpu.vector_load_idx %arg12[%mul3A_195] : memref<6144xf32, #tpu.memory_space<vmem>>[vector<16xi32>], vector<16xf32>,
        %add3A_206 = arith.constant 1 : i32
        %add3A_207 = vector.broadcast %add3A_206 : i32 to vector<16xi32>
        %add3A_208 = arith.addi %mul3A_195, %add3A_207 : vector<16xi32>
        %gather3A_209 = tpu.vector_load_idx %arg12[%add3A_208] : memref<6144xf32, #tpu.memory_space<vmem>>[vector<16xi32>], vector<16xf32>,
        %add3A_210 = arith.constant 2 : i32
        %add3A_211 = vector.broadcast %add3A_210 : i32 to vector<16xi32>
        %add3A_212 = arith.addi %mul3A_195, %add3A_211 : vector<16xi32>
        %gather3A_213 = tpu.vector_load_idx %arg12[%add3A_212] : memref<6144xf32, #tpu.memory_space<vmem>>[vector<16xi32>], vector<16xf32>,
        %gather3A_214 = tpu.vector_load_idx %arg13[%gather3A_185] : memref<2048xi32, #tpu.memory_space<vmem>>[vector<16xi32>], vector<16xi32>,
        %convert_element_type3A = arith.sitofp %gather3A_214 : vector<16xi32> to vector<16xf32>
        %gather3A_215 = tpu.vector_load_idx %arg13[%gather3A_186] : memref<2048xi32, #tpu.memory_space<vmem>>[vector<16xi32>], vector<16xi32>,
        %convert_element_type3A_216 = arith.sitofp %gather3A_215 : vector<16xi32> to vector<16xf32>
        %mul3A_217 = arith.constant 64 : i32
        %mul3A_218 = vector.broadcast %mul3A_217 : i32 to vector<16xi32>
        %mul3A_219 = arith.muli %iota3A, %mul3A_218 : vector<16xi32>
        %add3A_220 = arith.addi %mul3A_219, %gather3A_187 : vector<16xi32>
        %mul3A_221 = arith.constant 64 : i32
        %mul3A_222 = vector.broadcast %mul3A_221 : i32 to vector<16xi32>
        %mul3A_223 = arith.muli %iota3A, %mul3A_222 : vector<16xi32>
        %add3A_224 = arith.addi %mul3A_223, %gather3A_188 : vector<16xi32>
        %gather3A_225 = tpu.vector_load_idx %arg21[%add3A_220] : memref<3072xf32, #tpu.memory_space<vmem>>[vector<16xi32>], vector<16xf32>,
        %add3A_226 = arith.addf %gather3A_196, %gather3A_225 : vector<16xf32>
        %add3A_227 = arith.constant 1024 : i32
        %add3A_228 = vector.broadcast %add3A_227 : i32 to vector<16xi32>
        %add3A_229 = arith.addi %add3A_220, %add3A_228 : vector<16xi32>
        %gather3A_230 = tpu.vector_load_idx %arg21[%add3A_229] : memref<3072xf32, #tpu.memory_space<vmem>>[vector<16xi32>], vector<16xf32>,
        %add3A_231 = arith.addf %gather3A_200, %gather3A_230 : vector<16xf32>
        %add3A_232 = arith.constant 2048 : i32
        %add3A_233 = vector.broadcast %add3A_232 : i32 to vector<16xi32>
        %add3A_234 = arith.addi %add3A_220, %add3A_233 : vector<16xi32>
        %gather3A_235 = tpu.vector_load_idx %arg21[%add3A_234] : memref<3072xf32, #tpu.memory_space<vmem>>[vector<16xi32>], vector<16xf32>,
        %add3A_236 = arith.addf %gather3A_204, %gather3A_235 : vector<16xf32>
        %gather3A_237 = tpu.vector_load_idx %arg21[%add3A_224] : memref<3072xf32, #tpu.memory_space<vmem>>[vector<16xi32>], vector<16xf32>,
        %add3A_238 = arith.addf %gather3A_205, %gather3A_237 : vector<16xf32>
        %add3A_239 = arith.constant 1024 : i32
        %add3A_240 = vector.broadcast %add3A_239 : i32 to vector<16xi32>
        %add3A_241 = arith.addi %add3A_224, %add3A_240 : vector<16xi32>
        %gather3A_242 = tpu.vector_load_idx %arg21[%add3A_241] : memref<3072xf32, #tpu.memory_space<vmem>>[vector<16xi32>], vector<16xf32>,
        %add3A_243 = arith.addf %gather3A_209, %gather3A_242 : vector<16xf32>
        %add3A_244 = arith.constant 2048 : i32
        %add3A_245 = vector.broadcast %add3A_244 : i32 to vector<16xi32>
        %add3A_246 = arith.addi %add3A_224, %add3A_245 : vector<16xi32>
        %gather3A_247 = tpu.vector_load_idx %arg21[%add3A_246] : memref<3072xf32, #tpu.memory_space<vmem>>[vector<16xi32>], vector<16xf32>,
        %add3A_248 = arith.addf %gather3A_213, %gather3A_247 : vector<16xf32>
        %sub3A_249 = arith.subf %add3A_226, %gather3A : vector<16xf32>
        %sub3A_250 = arith.subf %add3A_231, %gather3A_120 : vector<16xf32>
        %sub3A_251 = arith.subf %add3A_236, %gather3A_124 : vector<16xf32>
        %sub3A_252 = arith.subf %add3A_238, %gather3A : vector<16xf32>
        %sub3A_253 = arith.subf %add3A_243, %gather3A_120 : vector<16xf32>
        %sub3A_254 = arith.subf %add3A_248, %gather3A_124 : vector<16xf32>
        %sub3A_255 = arith.subf %add3A_226, %add3A_238 : vector<16xf32>
        %sub3A_256 = arith.subf %add3A_231, %add3A_243 : vector<16xf32>
        %sub3A_257 = arith.subf %add3A_236, %add3A_248 : vector<16xf32>
        %mul3A_258 = arith.mulf %sub3A_249, %sub3A_249 : vector<16xf32>
        %mul3A_259 = arith.mulf %sub3A_250, %sub3A_250 : vector<16xf32>
        %add3A_260 = arith.addf %mul3A_258, %mul3A_259 : vector<16xf32>
        %mul3A_261 = arith.mulf %sub3A_251, %sub3A_251 : vector<16xf32>
        %add3A_262 = arith.addf %add3A_260, %mul3A_261 : vector<16xf32>
        %add3A_263 = arith.constant 9.99999996E-13 : f32
        %add3A_264 = vector.broadcast %add3A_263 : f32 to vector<16xf32>
        %add3A_265 = arith.addf %add3A_262, %add3A_264 : vector<16xf32>
        %mul3A_266 = arith.mulf %sub3A_252, %sub3A_252 : vector<16xf32>
        %mul3A_267 = arith.mulf %sub3A_253, %sub3A_253 : vector<16xf32>
        %add3A_268 = arith.addf %mul3A_266, %mul3A_267 : vector<16xf32>
        %mul3A_269 = arith.mulf %sub3A_254, %sub3A_254 : vector<16xf32>
        %add3A_270 = arith.addf %add3A_268, %mul3A_269 : vector<16xf32>
        %add3A_271 = arith.constant 9.99999996E-13 : f32
        %add3A_272 = vector.broadcast %add3A_271 : f32 to vector<16xf32>
        %add3A_273 = arith.addf %add3A_270, %add3A_272 : vector<16xf32>
        %mul3A_274 = arith.mulf %sub3A_255, %sub3A_255 : vector<16xf32>
        %mul3A_275 = arith.mulf %sub3A_256, %sub3A_256 : vector<16xf32>
        %add3A_276 = arith.addf %mul3A_274, %mul3A_275 : vector<16xf32>
        %mul3A_277 = arith.mulf %sub3A_257, %sub3A_257 : vector<16xf32>
        %add3A_278 = arith.addf %add3A_276, %mul3A_277 : vector<16xf32>
        %add3A_279 = arith.constant 9.99999996E-13 : f32
        %add3A_280 = vector.broadcast %add3A_279 : f32 to vector<16xf32>
        %add3A_281 = arith.addf %add3A_278, %add3A_280 : vector<16xf32>
        %add3A_282 = arith.addf %add3A_265, %add3A_273 : vector<16xf32>
        %add3A_283 = arith.addf %add3A_282, %add3A_281 : vector<16xf32>
        %sub3A_284 = arith.subf %add3A_282, %add3A_281 : vector<16xf32>
        %mul3A_285 = arith.constant 5.000000e-01 : f32
        %mul3A_286 = vector.broadcast %mul3A_285 : f32 to vector<16xf32>
        %mul3A_287 = arith.mulf %sub3A_284, %mul3A_286 : vector<16xf32>
        %mul3A_288 = arith.mulf %add3A_265, %add3A_273 : vector<16xf32>
        %bitcast3A = vector.bitcast %mul3A_288 : vector<16xf32> to vector<16xi32>
        %shift_right_arithmetic3A = arith.constant 1 : i32
        %shift_right_arithmetic3A_289 = vector.broadcast %shift_right_arithmetic3A : i32 to vector<16xi32>
        %shift_right_arithmetic3A_290 = arith.shrsi %bitcast3A, %shift_right_arithmetic3A_289 : vector<16xi32>
        %sub3A_291 = arith.constant 1597463007 : i32
        %sub3A_292 = vector.broadcast %sub3A_291 : i32 to vector<16xi32>
        %sub3A_293 = arith.subi %sub3A_292, %shift_right_arithmetic3A_290 : vector<16xi32>
        %bitcast3A_294 = vector.bitcast %sub3A_293 : vector<16xi32> to vector<16xf32>
        %mul3A_295 = arith.constant 5.000000e-01 : f32
        %mul3A_296 = vector.broadcast %mul3A_295 : f32 to vector<16xf32>
        %mul3A_297 = arith.mulf %mul3A_296, %mul3A_288 : vector<16xf32>
        %mul3A_298 = arith.mulf %mul3A_297, %bitcast3A_294 : vector<16xf32>
        %mul3A_299 = arith.mulf %mul3A_298, %bitcast3A_294 : vector<16xf32>
        %sub3A_300 = arith.constant 1.500000e+00 : f32
        %sub3A_301 = vector.broadcast %sub3A_300 : f32 to vector<16xf32>
        %sub3A_302 = arith.subf %sub3A_301, %mul3A_299 : vector<16xf32>
        %mul3A_303 = arith.mulf %bitcast3A_294, %sub3A_302 : vector<16xf32>
        %mul3A_304 = arith.constant 5.000000e-01 : f32
        %mul3A_305 = vector.broadcast %mul3A_304 : f32 to vector<16xf32>
        %mul3A_306 = arith.mulf %mul3A_305, %mul3A_288 : vector<16xf32>
        %mul3A_307 = arith.mulf %mul3A_306, %mul3A_303 : vector<16xf32>
        %mul3A_308 = arith.mulf %mul3A_307, %mul3A_303 : vector<16xf32>
        %sub3A_309 = arith.constant 1.500000e+00 : f32
        %sub3A_310 = vector.broadcast %sub3A_309 : f32 to vector<16xf32>
        %sub3A_311 = arith.subf %sub3A_310, %mul3A_308 : vector<16xf32>
        %mul3A_312 = arith.mulf %mul3A_303, %sub3A_311 : vector<16xf32>
        %mul3A_313 = arith.constant 5.000000e-01 : f32
        %mul3A_314 = vector.broadcast %mul3A_313 : f32 to vector<16xf32>
        %mul3A_315 = arith.mulf %mul3A_314, %mul3A_288 : vector<16xf32>
        %mul3A_316 = arith.mulf %mul3A_315, %mul3A_312 : vector<16xf32>
        %mul3A_317 = arith.mulf %mul3A_316, %mul3A_312 : vector<16xf32>
        %sub3A_318 = arith.constant 1.500000e+00 : f32
        %sub3A_319 = vector.broadcast %sub3A_318 : f32 to vector<16xf32>
        %sub3A_320 = arith.subf %sub3A_319, %mul3A_317 : vector<16xf32>
        %mul3A_321 = arith.mulf %mul3A_312, %sub3A_320 : vector<16xf32>
        %mul3A_322 = arith.mulf %mul3A_287, %mul3A_321 : vector<16xf32>
        %sub3A_323 = arith.constant 1.000000e+00 : f32
        %sub3A_324 = vector.broadcast %sub3A_323 : f32 to vector<16xf32>
        %sub3A_325 = arith.subf %sub3A_324, %mul3A_322 : vector<16xf32>
        %mul3A_326 = arith.mulf %sub3A_325, %convert_element_type3A : vector<16xf32>
        %mul3A_327 = arith.mulf %mul3A_326, %convert_element_type3A_216 : vector<16xf32>
        %mul3A_328 = arith.constant 4.000000e-02 : f32
        %mul3A_329 = vector.broadcast %mul3A_328 : f32 to vector<16xf32>
        %mul3A_330 = arith.mulf %add3A_265, %mul3A_329 : vector<16xf32>
        %broadcast_in_dim3A_331 = arith.constant 0.00159391074 : f32
        %broadcast_in_dim3A_332 = vector.broadcast %broadcast_in_dim3A_331 : f32 to vector<16xf32>
        %mul3A_333 = arith.mulf %broadcast_in_dim3A_332, %mul3A_330 : vector<16xf32>
        %add3A_334 = arith.constant -0.0253589842 : f32
        %add3A_335 = vector.broadcast %add3A_334 : f32 to vector<16xf32>
        %add3A_336 = arith.addf %mul3A_333, %add3A_335 : vector<16xf32>
        %mul3A_337 = arith.mulf %add3A_336, %mul3A_330 : vector<16xf32>
        %add3A_338 = arith.constant 0.235029802 : f32
        %add3A_339 = vector.broadcast %add3A_338 : f32 to vector<16xf32>
        %add3A_340 = arith.addf %mul3A_337, %add3A_339 : vector<16xf32>
        %mul3A_341 = arith.mulf %add3A_340, %mul3A_330 : vector<16xf32>
        %add3A_342 = arith.constant -1.33515847 : f32
        %add3A_343 = vector.broadcast %add3A_342 : f32 to vector<16xf32>
        %add3A_344 = arith.addf %mul3A_341, %add3A_343 : vector<16xf32>
        %mul3A_345 = arith.mulf %add3A_344, %mul3A_330 : vector<16xf32>
        %add3A_346 = arith.constant 4.05869484 : f32
        %add3A_347 = vector.broadcast %add3A_346 : f32 to vector<16xf32>
        %add3A_348 = arith.addf %mul3A_345, %add3A_347 : vector<16xf32>
        %mul3A_349 = arith.mulf %add3A_348, %mul3A_330 : vector<16xf32>
        %add3A_350 = arith.constant -4.9348011 : f32
        %add3A_351 = vector.broadcast %add3A_350 : f32 to vector<16xf32>
        %add3A_352 = arith.addf %mul3A_349, %add3A_351 : vector<16xf32>
        %mul3A_353 = arith.mulf %add3A_352, %mul3A_330 : vector<16xf32>
        %add3A_354 = arith.constant 1.000000e+00 : f32
        %add3A_355 = vector.broadcast %add3A_354 : f32 to vector<16xf32>
        %add3A_356 = arith.addf %mul3A_353, %add3A_355 : vector<16xf32>
        %mul3A_357 = arith.constant 5.000000e-01 : f32
        %mul3A_358 = vector.broadcast %mul3A_357 : f32 to vector<16xf32>
        %mul3A_359 = arith.mulf %mul3A_358, %add3A_356 : vector<16xf32>
        %add3A_360 = arith.constant 5.000000e-01 : f32
        %add3A_361 = vector.broadcast %add3A_360 : f32 to vector<16xf32>
        %add3A_362 = arith.addf %mul3A_359, %add3A_361 : vector<16xf32>
        %lt3A = arith.constant 2.500000e+01 : f32
        %lt3A_363 = vector.broadcast %lt3A : f32 to vector<16xf32>
        %lt3A_364 = arith.cmpf olt, %add3A_265, %lt3A_363 : vector<16xf32>
        %jit3A_365 = arith.constant 0.000000e+00 : f32
        %broadcast_in_dim3A_366 = vector.broadcast %jit3A_365 : f32 to vector<16xf32>
        %select_n3A_367 = arith.select %lt3A_364, %add3A_362, %broadcast_in_dim3A_366 : vector<16xi1>, vector<16xf32>
        %mul3A_368 = arith.mulf %mul3A_327, %select_n3A_367 : vector<16xf32>
        %mul3A_369 = arith.constant 4.000000e-02 : f32
        %mul3A_370 = vector.broadcast %mul3A_369 : f32 to vector<16xf32>
        %mul3A_371 = arith.mulf %add3A_273, %mul3A_370 : vector<16xf32>
        %broadcast_in_dim3A_372 = arith.constant 0.00159391074 : f32
        %broadcast_in_dim3A_373 = vector.broadcast %broadcast_in_dim3A_372 : f32 to vector<16xf32>
        %mul3A_374 = arith.mulf %broadcast_in_dim3A_373, %mul3A_371 : vector<16xf32>
        %add3A_375 = arith.constant -0.0253589842 : f32
        %add3A_376 = vector.broadcast %add3A_375 : f32 to vector<16xf32>
        %add3A_377 = arith.addf %mul3A_374, %add3A_376 : vector<16xf32>
        %mul3A_378 = arith.mulf %add3A_377, %mul3A_371 : vector<16xf32>
        %add3A_379 = arith.constant 0.235029802 : f32
        %add3A_380 = vector.broadcast %add3A_379 : f32 to vector<16xf32>
        %add3A_381 = arith.addf %mul3A_378, %add3A_380 : vector<16xf32>
        %mul3A_382 = arith.mulf %add3A_381, %mul3A_371 : vector<16xf32>
        %add3A_383 = arith.constant -1.33515847 : f32
        %add3A_384 = vector.broadcast %add3A_383 : f32 to vector<16xf32>
        %add3A_385 = arith.addf %mul3A_382, %add3A_384 : vector<16xf32>
        %mul3A_386 = arith.mulf %add3A_385, %mul3A_371 : vector<16xf32>
        %add3A_387 = arith.constant 4.05869484 : f32
        %add3A_388 = vector.broadcast %add3A_387 : f32 to vector<16xf32>
        %add3A_389 = arith.addf %mul3A_386, %add3A_388 : vector<16xf32>
        %mul3A_390 = arith.mulf %add3A_389, %mul3A_371 : vector<16xf32>
        %add3A_391 = arith.constant -4.9348011 : f32
        %add3A_392 = vector.broadcast %add3A_391 : f32 to vector<16xf32>
        %add3A_393 = arith.addf %mul3A_390, %add3A_392 : vector<16xf32>
        %mul3A_394 = arith.mulf %add3A_393, %mul3A_371 : vector<16xf32>
        %add3A_395 = arith.constant 1.000000e+00 : f32
        %add3A_396 = vector.broadcast %add3A_395 : f32 to vector<16xf32>
        %add3A_397 = arith.addf %mul3A_394, %add3A_396 : vector<16xf32>
        %mul3A_398 = arith.constant 5.000000e-01 : f32
        %mul3A_399 = vector.broadcast %mul3A_398 : f32 to vector<16xf32>
        %mul3A_400 = arith.mulf %mul3A_399, %add3A_397 : vector<16xf32>
        %add3A_401 = arith.constant 5.000000e-01 : f32
        %add3A_402 = vector.broadcast %add3A_401 : f32 to vector<16xf32>
        %add3A_403 = arith.addf %mul3A_400, %add3A_402 : vector<16xf32>
        %lt3A_404 = arith.constant 2.500000e+01 : f32
        %lt3A_405 = vector.broadcast %lt3A_404 : f32 to vector<16xf32>
        %lt3A_406 = arith.cmpf olt, %add3A_273, %lt3A_405 : vector<16xf32>
        %jit3A_407 = arith.constant 0.000000e+00 : f32
        %broadcast_in_dim3A_408 = vector.broadcast %jit3A_407 : f32 to vector<16xf32>
        %select_n3A_409 = arith.select %lt3A_406, %add3A_403, %broadcast_in_dim3A_408 : vector<16xi1>, vector<16xf32>
        %mul3A_410 = arith.mulf %mul3A_368, %select_n3A_409 : vector<16xf32>
        %mul3A_411 = arith.constant 4.000000e-02 : f32
        %mul3A_412 = vector.broadcast %mul3A_411 : f32 to vector<16xf32>
        %mul3A_413 = arith.mulf %add3A_281, %mul3A_412 : vector<16xf32>
        %broadcast_in_dim3A_414 = arith.constant 0.00159391074 : f32
        %broadcast_in_dim3A_415 = vector.broadcast %broadcast_in_dim3A_414 : f32 to vector<16xf32>
        %mul3A_416 = arith.mulf %broadcast_in_dim3A_415, %mul3A_413 : vector<16xf32>
        %add3A_417 = arith.constant -0.0253589842 : f32
        %add3A_418 = vector.broadcast %add3A_417 : f32 to vector<16xf32>
        %add3A_419 = arith.addf %mul3A_416, %add3A_418 : vector<16xf32>
        %mul3A_420 = arith.mulf %add3A_419, %mul3A_413 : vector<16xf32>
        %add3A_421 = arith.constant 0.235029802 : f32
        %add3A_422 = vector.broadcast %add3A_421 : f32 to vector<16xf32>
        %add3A_423 = arith.addf %mul3A_420, %add3A_422 : vector<16xf32>
        %mul3A_424 = arith.mulf %add3A_423, %mul3A_413 : vector<16xf32>
        %add3A_425 = arith.constant -1.33515847 : f32
        %add3A_426 = vector.broadcast %add3A_425 : f32 to vector<16xf32>
        %add3A_427 = arith.addf %mul3A_424, %add3A_426 : vector<16xf32>
        %mul3A_428 = arith.mulf %add3A_427, %mul3A_413 : vector<16xf32>
        %add3A_429 = arith.constant 4.05869484 : f32
        %add3A_430 = vector.broadcast %add3A_429 : f32 to vector<16xf32>
        %add3A_431 = arith.addf %mul3A_428, %add3A_430 : vector<16xf32>
        %mul3A_432 = arith.mulf %add3A_431, %mul3A_413 : vector<16xf32>
        %add3A_433 = arith.constant -4.9348011 : f32
        %add3A_434 = vector.broadcast %add3A_433 : f32 to vector<16xf32>
        %add3A_435 = arith.addf %mul3A_432, %add3A_434 : vector<16xf32>
        %mul3A_436 = arith.mulf %add3A_435, %mul3A_413 : vector<16xf32>
        %add3A_437 = arith.constant 1.000000e+00 : f32
        %add3A_438 = vector.broadcast %add3A_437 : f32 to vector<16xf32>
        %add3A_439 = arith.addf %mul3A_436, %add3A_438 : vector<16xf32>
        %mul3A_440 = arith.constant 5.000000e-01 : f32
        %mul3A_441 = vector.broadcast %mul3A_440 : f32 to vector<16xf32>
        %mul3A_442 = arith.mulf %mul3A_441, %add3A_439 : vector<16xf32>
        %add3A_443 = arith.constant 5.000000e-01 : f32
        %add3A_444 = vector.broadcast %add3A_443 : f32 to vector<16xf32>
        %add3A_445 = arith.addf %mul3A_442, %add3A_444 : vector<16xf32>
        %lt3A_446 = arith.constant 2.500000e+01 : f32
        %lt3A_447 = vector.broadcast %lt3A_446 : f32 to vector<16xf32>
        %lt3A_448 = arith.cmpf olt, %add3A_281, %lt3A_447 : vector<16xf32>
        %jit3A_449 = arith.constant 0.000000e+00 : f32
        %broadcast_in_dim3A_450 = vector.broadcast %jit3A_449 : f32 to vector<16xf32>
        %select_n3A_451 = arith.select %lt3A_448, %add3A_445, %broadcast_in_dim3A_450 : vector<16xi1>, vector<16xf32>
        %mul3A_452 = arith.mulf %mul3A_410, %select_n3A_451 : vector<16xf32>
        %eq3A = arith.constant 0.000000e+00 : f32
        %eq3A_453 = vector.broadcast %eq3A : f32 to vector<16xf32>
        %eq3A_454 = arith.cmpf oeq, %gather3A_189, %eq3A_453 : vector<16xf32>
        %jit3A_455 = arith.constant 0.000000e+00 : f32
        %broadcast_in_dim3A_456 = vector.broadcast %jit3A_455 : f32 to vector<16xf32>
        %select_n3A_457 = arith.select %eq3A_454, %broadcast_in_dim3A_456, %mul3A_452 : vector<16xi1>, vector<16xf32>
        %mul3A_458 = arith.mulf %sub3A_63, %add3A_283 : vector<16xf32>
        %exp3A = math.exp %mul3A_458 : vector<16xf32>
        %mul3A_459 = arith.mulf %select_n3A_457, %exp3A : vector<16xf32>
        %add3A_460 = arith.addf %scan3A_176, %mul3A_459 : vector<16xf32>
        %mul3A_461 = arith.mulf %sub3A_67, %add3A_283 : vector<16xf32>
        %exp3A_462 = math.exp %mul3A_461 : vector<16xf32>
        %mul3A_463 = arith.mulf %select_n3A_457, %exp3A_462 : vector<16xf32>
        %add3A_464 = arith.addf %scan3A_177, %mul3A_463 : vector<16xf32>
        %mul3A_465 = arith.mulf %sub3A_71, %add3A_283 : vector<16xf32>
        %exp3A_466 = math.exp %mul3A_465 : vector<16xf32>
        %mul3A_467 = arith.mulf %select_n3A_457, %exp3A_466 : vector<16xf32>
        %add3A_468 = arith.addf %scan3A_178, %mul3A_467 : vector<16xf32>
        %mul3A_469 = arith.mulf %sub3A_75, %add3A_283 : vector<16xf32>
        %exp3A_470 = math.exp %mul3A_469 : vector<16xf32>
        %mul3A_471 = arith.mulf %select_n3A_457, %exp3A_470 : vector<16xf32>
        %add3A_472 = arith.addf %scan3A_179, %mul3A_471 : vector<16xf32>
        scf.yield %add3A_460, %add3A_464, %add3A_468, %add3A_472 : vector<16xf32>, vector<16xf32>, vector<16xf32>, vector<16xf32>
      }
      %scan3A_130 = arith.constant 256 : i32
      %mul3A_131 = arith.constant 16 : i32
      %mul3A_132 = arith.muli %scan3A_86, %mul3A_131 : i32
      %add3A_133 = vector.broadcast %mul3A_132 : i32 to vector<16xi32>
      %add3A_134 = arith.addi %add3A_133, %iota3A : vector<16xi32>
      %mul3A_135 = arith.constant 8 : i32
      %mul3A_136 = vector.broadcast %mul3A_135 : i32 to vector<16xi32>
      %mul3A_137 = arith.muli %add3A_134, %mul3A_136 : vector<16xi32>
      %add3A_138 = arith.constant 0 : i32
      %add3A_139 = vector.broadcast %add3A_138 : i32 to vector<16xi32>
      %add3A_140 = arith.addi %mul3A_137, %add3A_139 : vector<16xi32>
      tpu.vector_store_idx %arg22[%add3A_140], %scan3A_129#0 : memref<1024xf32, #tpu.memory_space<vmem>>[vector<16xi32>], vector<16xf32>,
      %add3A_141 = arith.constant 1 : i32
      %add3A_142 = vector.broadcast %add3A_141 : i32 to vector<16xi32>
      %add3A_143 = arith.addi %mul3A_137, %add3A_142 : vector<16xi32>
      %mul3A_144 = arith.constant 4.000000e+00 : f32
      %mul3A_145 = vector.broadcast %mul3A_144 : f32 to vector<16xf32>
      %mul3A_146 = arith.mulf %mul3A_145, %scan3A_129#0 : vector<16xf32>
      tpu.vector_store_idx %arg22[%add3A_143], %mul3A_146 : memref<1024xf32, #tpu.memory_space<vmem>>[vector<16xi32>], vector<16xf32>,
      %add3A_147 = arith.constant 2 : i32
      %add3A_148 = vector.broadcast %add3A_147 : i32 to vector<16xi32>
      %add3A_149 = arith.addi %mul3A_137, %add3A_148 : vector<16xi32>
      tpu.vector_store_idx %arg22[%add3A_149], %scan3A_129#1 : memref<1024xf32, #tpu.memory_space<vmem>>[vector<16xi32>], vector<16xf32>,
      %add3A_150 = arith.constant 3 : i32
      %add3A_151 = vector.broadcast %add3A_150 : i32 to vector<16xi32>
      %add3A_152 = arith.addi %mul3A_137, %add3A_151 : vector<16xi32>
      %mul3A_153 = arith.constant 4.000000e+00 : f32
      %mul3A_154 = vector.broadcast %mul3A_153 : f32 to vector<16xf32>
      %mul3A_155 = arith.mulf %mul3A_154, %scan3A_129#1 : vector<16xf32>
      tpu.vector_store_idx %arg22[%add3A_152], %mul3A_155 : memref<1024xf32, #tpu.memory_space<vmem>>[vector<16xi32>], vector<16xf32>,
      %add3A_156 = arith.constant 4 : i32
      %add3A_157 = vector.broadcast %add3A_156 : i32 to vector<16xi32>
      %add3A_158 = arith.addi %mul3A_137, %add3A_157 : vector<16xi32>
      tpu.vector_store_idx %arg22[%add3A_158], %scan3A_129#2 : memref<1024xf32, #tpu.memory_space<vmem>>[vector<16xi32>], vector<16xf32>,
      %add3A_159 = arith.constant 5 : i32
      %add3A_160 = vector.broadcast %add3A_159 : i32 to vector<16xi32>
      %add3A_161 = arith.addi %mul3A_137, %add3A_160 : vector<16xi32>
      %mul3A_162 = arith.constant 4.000000e+00 : f32
      %mul3A_163 = vector.broadcast %mul3A_162 : f32 to vector<16xf32>
      %mul3A_164 = arith.mulf %mul3A_163, %scan3A_129#2 : vector<16xf32>
      tpu.vector_store_idx %arg22[%add3A_161], %mul3A_164 : memref<1024xf32, #tpu.memory_space<vmem>>[vector<16xi32>], vector<16xf32>,
      %add3A_165 = arith.constant 6 : i32
      %add3A_166 = vector.broadcast %add3A_165 : i32 to vector<16xi32>
      %add3A_167 = arith.addi %mul3A_137, %add3A_166 : vector<16xi32>
      tpu.vector_store_idx %arg22[%add3A_167], %scan3A_129#3 : memref<1024xf32, #tpu.memory_space<vmem>>[vector<16xi32>], vector<16xf32>,
      %add3A_168 = arith.constant 7 : i32
      %add3A_169 = vector.broadcast %add3A_168 : i32 to vector<16xi32>
      %add3A_170 = arith.addi %mul3A_137, %add3A_169 : vector<16xi32>
      %mul3A_171 = arith.constant 4.000000e+00 : f32
      %mul3A_172 = vector.broadcast %mul3A_171 : f32 to vector<16xf32>
      %mul3A_173 = arith.mulf %mul3A_172, %scan3A_129#3 : vector<16xf32>
      tpu.vector_store_idx %arg22[%add3A_170], %mul3A_173 : memref<1024xf32, #tpu.memory_space<vmem>>[vector<16xi32>], vector<16xf32>,
      %scan3A_174 = arith.constant 0 : i32
      scf.yield %scan3A_174 : i32
    }
    %scan3A_81 = arith.constant 8 : i32
    %mul3A_82 = arith.constant 2 : i32
    %mul3A_83 = arith.muli %sub3A_21, %mul3A_82 : i32
    %mul3A_84 = arith.constant 4 : i32
    %mul3A_85 = arith.muli %mul3A_83, %mul3A_84 : i32
    "tpu.region"() ({
      %run_scoped3A = tpu.sem_alloc : memref<!tpu.dma_semaphore, #tpu.memory_space<semaphore_mem>>
      %dma_start3A = tpu.memref_slice %arg11[%select_n3A, %mul3A_85] : memref<2x16384xf32, #tpu.memory_space<hbm>> -> memref<1x1024xf32, #tpu.memory_space<hbm>>
      %dma_start3A_86 = tpu.memref_squeeze %dma_start3A : memref<1x1024xf32, #tpu.memory_space<hbm>> -> memref<1024xf32, #tpu.memory_space<hbm>>
      %dma_start3A_87 = tpu.memref_slice %arg11[%select_n3A, %mul3A_85] : memref<2x16384xf32, #tpu.memory_space<hbm>> -> memref<1x1024xf32, #tpu.memory_space<hbm>>
      %dma_start3A_88 = tpu.memref_squeeze %dma_start3A_87 : memref<1x1024xf32, #tpu.memory_space<hbm>> -> memref<1024xf32, #tpu.memory_space<hbm>>
      tpu.enqueue_dma source(%arg22 : memref<1024xf32, #tpu.memory_space<vmem>>) target(%dma_start3A_88 : memref<1024xf32, #tpu.memory_space<hbm>>) target_semaphore(%run_scoped3A : memref<!tpu.dma_semaphore, #tpu.memory_space<semaphore_mem>>)
      %dma_wait3A = tpu.memref_slice %arg11[%select_n3A, %mul3A_85] : memref<2x16384xf32, #tpu.memory_space<hbm>> -> memref<1x1024xf32, #tpu.memory_space<hbm>>
      %dma_wait3A_89 = tpu.memref_squeeze %dma_wait3A : memref<1x1024xf32, #tpu.memory_space<hbm>> -> memref<1024xf32, #tpu.memory_space<hbm>>
      %dma_wait3A_90 = tpu.memref_slice %arg11[%select_n3A, %mul3A_85] : memref<2x16384xf32, #tpu.memory_space<hbm>> -> memref<1x1024xf32, #tpu.memory_space<hbm>>
      %dma_wait3A_91 = tpu.memref_squeeze %dma_wait3A_90 : memref<1x1024xf32, #tpu.memory_space<hbm>> -> memref<1024xf32, #tpu.memory_space<hbm>>
      tpu.wait_dma2 semaphore(%run_scoped3A : memref<!tpu.dma_semaphore, #tpu.memory_space<semaphore_mem>>) src(%arg22 : memref<1024xf32, #tpu.memory_space<vmem>>) dst(%dma_wait3A_91 : memref<1024xf32, #tpu.memory_space<hbm>>)
      tpu.yield
    }) : () -> ()
    return
  }
}

</mosaic_0001>

<sc_bundles>
// kernel: kernel.3.cloned.1.call-start
scs
__scs_entry_jumppad:
0x0: {  	(pc) =	sbr.rel $0x88, $3  }
0x1: {  	(tag) =	ssettag $0x0;
	lr =	simm.s32 $0x1  }
0x2: {  	[smem:$0x3F97] =	sst lr;
	_ =	strace $0xD0000000  }
0x3: {  	_ = 	snop  }
0x4: {  	_ = 	snop  }
0x5: {  	_ = 	snop  }
0x6: {  	_ = 	snop  }
0x7: {  	_ = 	snop  }
__scs_overlays_trampoline_lowered:
0x8: {  	[smem:$0x3FA6] =	sst s0  }
0x9: {  	[smem:$0x3FA7] =	sst s1  }
0xa: {  	[smem:$0x3FA8] =	sst s2  }
0xb: {  	[smem:$0x3FA9] =	sst s3  }
0xc: {  	[smem:$0x3FAA] =	sst s4  }
0xd: {  	[smem:$0x3FAB] =	sst s5  }
0xe: {  	[smem:$0x3FAC] =	sst s6  }
0xf: {  	[smem:$0x3FAD] =	sst s7  }
0x10: {  	[smem:$0x3FAE] =	sst s8  }
0x11: {  	[smem:$0x3FAF] =	sst s9;
	s0 =	simm.s32 @!p0 $0x0  }
0x12: {  	s1 =	sld [smem:$0x3F95];
	s0 =	simm.s32 @p0 $0x1  }
0x13: {  	[smem:$0x3FB0] =	sst s0;
	s0 =	simm.s32 @!p1 $0x0  }
0x14: {  	s2 =	sld [smem:$0x3F94];
	s0 =	simm.s32 @p1 $0x1  }
0x15: {  	[smem:$0x3FB1] =	sst s0;
	s0 =	simm.s32 @!p2 $0x0  }
0x16: {  	s3 =	sld [smem:$0x3FDB];
	s0 =	simm.s32 @p2 $0x1  }
0x17: {  	s4 =	simm.s32 $0x1BF5;
	[smem:$0x3FB3] =	sst s0  }
0x18: {  	s0 =	sld [smem:$0x3F96];
	_ =	swait.ge [sflag:s4], $0x0  }
0x19: {  	s7 =	sld [smem:$0x3F97]  }
0x1a: {  	s8 =	sadd.s32 $0xFFFFE003, lr  }
0x1b: {  	s9 =	sadd.s32 $0xFFFFFEF7, lr;
	s5 =	simm.s32 $0xFFFFFFFF;
	p2 =	slt.u32 s8, $0xFFFFF086  }
0x1c: {  	p1 =	slt.u32 s9, $0xF7A;
	s5 =	simm.s32 @!p2 $0x0  }
0x1d: {  	s5 =	simm.s32 @p1 $0x1;
	p0 =	seq.s32 s7, s2  }
0x1e: {  	s7 =	smul.u32 @!p0 $0xF7A, s2;
	p2 =	seq.s32 @!p0 s5, $0x0  }
0x1f: {  	s9 =	smul.u32 $0xF7A, s1;
	s8 =	simm.s32 @!p0 $0x1BF5;
	p2 =	por !p2, p0  }
0x20: {  	[sflag:s8] =	ssyncset.s32 @!p0 $0xFFFFF086;
	s6 =	sadd.s32 @!p0 s3, s7;
	s7 =	simm.s32 @!p0 $0x108  }
0x21: {  	s3 =	sadd.s32 s3, s9;
	s6 =	sadd.s32 @!p0 $0x88, s6;
	s7 =	simm.s32 @p2 $0x1082  }
0x22: {  	[simem:s7], [sflag:s8] =	dma.local @!p0 [hbm:s6], $0xF7A  }
0x23: {  	s9 =	sor.u32 $0xD0000000, s2;
	s6 =	simm.s32 $0x108;
	_ =	swait.ge @!p0 [sflag:s8], $0x0  }
0x24: {  	s3 =	sadd.s32 $0x88, s3;
	s6 =	simm.s32 @!p1 $0x1082;
	[sflag:s4] =	ssyncset.s32 $0xFFFFF086  }
0x25: {  	[simem:s6], [sflag:s4] =	dma.local [hbm:s3], $0xF7A  }
0x26: {  	[smem:$0x3F97] =	sst s1;
	(tag) =	ssettag s2;
	_ =	strace s9  }
0x27: {  	s1 =	sld [smem:$0x3FA7]  }
0x28: {  	s2 =	sld [smem:$0x3FA8]  }
0x29: {  	s4 =	sld [smem:$0x3FAA]  }
0x2a: {  	p0 =	seq.s32 s5, $0x0;
	s5 =	sld [smem:$0x3FAB]  }
0x2b: {  	s6 =	sld [smem:$0x3FAC]  }
0x2c: {  	s7 =	sld [smem:$0x3FAD]  }
0x2d: {  	s3 =	simm.s32 $0x108;
	s8 =	sld [smem:$0x3FAE]  }
0x2e: {  	s3 =	simm.s32 @!p0 $0x1082;
	s9 =	sld [smem:$0x3FAF]  }
0x2f: {  	lr =	sadd.s32 s0, s3;
	s0 =	sld [smem:$0x3FA6]  }
0x30: {  	s3 =	sld [smem:$0x3FA9]  }
0x31: {  	[smem:$0x3FB2] =	sst s10  }
0x32: {  	s10 =	sld [smem:$0x3FB0];
	_ =	sdelay $0x3  }
0x33: {  	p0 =	seq.s32 s10, $0x1;
	s10 =	sld [smem:$0x3FB2];
	_ =	sdelay $0x3  }
0x34: {  	[smem:$0x3FB2] =	sst s10  }
0x35: {  	s10 =	sld [smem:$0x3FB1];
	_ =	sdelay $0x3  }
0x36: {  	p1 =	seq.s32 s10, $0x1;
	s10 =	sld [smem:$0x3FB2];
	_ =	sdelay $0x3  }
0x37: {  	[smem:$0x3FB2] =	sst s10  }
0x38: {  	s10 =	sld [smem:$0x3FB3]  }
0x39: {  	_ = 	snop;
	(pc) =	sbr.ind lr, $3  }
0x3a: {  	_ = 	snop  }
0x3b: {  	_ = 	snop  }
0x3c: {  	p2 =	seq.s32 s10, $0x1;
	s10 =	sld [smem:$0x3FB2]  }
0x3d: {  	_ =	shalt  }
0x3e: {  	_ =	shalt  }
0x3f: {  	_ =	shalt  }
0x40: {  	_ =	shalt  }
0x41: {  	_ =	shalt  }
0x42: {  	_ =	shalt  }
0x43: {  	_ =	shalt  }
0x44: {  	_ =	shalt  }
0x45: {  	_ =	shalt  }
0x46: {  	_ =	shalt  }
0x47: {  	_ =	shalt  }
0x48: {  	_ =	shalt  }
0x49: {  	_ =	shalt  }
0x4a: {  	_ =	shalt  }
0x4b: {  	_ =	shalt  }
0x4c: {  	_ =	shalt  }
0x4d: {  	_ =	shalt  }
0x4e: {  	_ =	shalt  }
0x4f: {  	_ =	shalt  }
0x50: {  	_ =	shalt  }
0x51: {  	_ =	shalt  }
0x52: {  	_ =	shalt  }
0x53: {  	_ =	shalt  }
0x54: {  	_ =	shalt  }
0x55: {  	_ =	shalt  }
0x56: {  	_ =	shalt  }
0x57: {  	_ =	shalt  }
0x58: {  	_ =	shalt  }
0x59: {  	_ =	shalt  }
0x5a: {  	_ =	shalt  }
0x5b: {  	_ =	shalt  }
0x5c: {  	_ =	shalt  }
0x5d: {  	_ =	shalt  }
0x5e: {  	_ =	shalt  }
0x5f: {  	_ =	shalt  }
0x60: {  	_ =	shalt  }
0x61: {  	_ =	shalt  }
0x62: {  	_ =	shalt  }
0x63: {  	_ =	shalt  }
0x64: {  	_ =	shalt  }
0x65: {  	_ =	shalt  }
0x66: {  	_ =	shalt  }
0x67: {  	_ =	shalt  }
0x68: {  	_ =	shalt  }
0x69: {  	_ =	shalt  }
0x6a: {  	_ =	shalt  }
0x6b: {  	_ =	shalt  }
0x6c: {  	_ =	shalt  }
0x6d: {  	_ =	shalt  }
0x6e: {  	_ =	shalt  }
0x6f: {  	_ =	shalt  }
0x70: {  	_ =	shalt  }
0x71: {  	_ =	shalt  }
0x72: {  	_ =	shalt  }
0x73: {  	_ =	shalt  }
0x74: {  	_ =	shalt  }
0x75: {  	_ =	shalt  }
0x76: {  	_ =	shalt  }
0x77: {  	_ =	shalt  }
0x78: {  	_ =	shalt  }
0x79: {  	_ =	shalt  }
0x7a: {  	_ =	shalt  }
0x7b: {  	_ =	shalt  }
0x7c: {  	_ =	shalt  }
0x7d: {  	_ =	shalt  }
0x7e: {  	_ =	shalt  }
0x7f: {  	_ =	shalt  }
0x80: {  	_ =	shalt  }
0x81: {  	_ =	shalt  }
0x82: {  	_ =	shalt  }
0x83: {  	_ =	shalt  }
0x84: {  	_ =	shalt  }
0x85: {  	_ =	shalt  }
0x86: {  	_ =	shalt  }
0x87: {  	_ =	shalt  }
.Lfunc_end0:
.L_simem_size_0:
called_computation_lowered:
.L_overlay_start_0:
0x88: {  	s2 =	sld [smem:$0x3FD9]  }
0x89: {  	s3 =	sld [smem:$0x3FFE];
	_ =	sdelay $0x1  }
0x8a: {  	s1 =	srdreg.scid  }
0x8b: {  	s0 =	sand.u32 $0x1, s1  }
0x8c: {  	s17 =	sshll.u32 s0, $0xA;
	s2 =	sadd.s32 s3, s2  }
0x8d: {  	s2 =	sadd.s32 s2, s17  }
0x8e: {  	[smem:$0x3FBE] =	sst s2  }
0x8f: {  	_ = 	snop  }
0x90: {  	s2 =	sld [smem:$0x3FC0]  }
0x91: {  	s18 =	sld [smem:$0x3FD0];
	(tm) =	ssettm $0x1  }
0x92: {  	s4 =	sld [smem:$0x3FFB];
	_ =	sdelay $0x3  }
0x93: {  	_ =	strace s4  }
0x94: {  	s4 =	sld [smem:$0x3FFC];
	_ =	sdelay $0x3  }
0x95: {  	_ =	strace s4  }
0x96: {  	s4 =	sld [smem:$0x3FFD];
	_ =	sdelay $0x3  }
0x97: {  	_ =	strace s4  }
0x98: {  	_ =	strace $0x8FFFFFFF  }
0x99: {  	s19 =	sld [smem:$0x3FDB];
	_ =	sdelay $0x1  }
0x9a: {  	s5 =	simm.s32 $_scs_section_size  }
0x9b: {  	s6 =	simm.s32 $_size__tile_overlayer_lowered;
	s7 =	simm.s32 $_tile_overlayer_lowered  }
0x9c: {  	s22 =	simm.s32 $0x1BFF;
	s21 =	sshll.u32 s7, $0x1;
	s4 =	sadd.s32 s5, s19  }
0x9d: {  	s8 =	simm.s32 $0x0;
	s20 =	sshll.u32 s6, $0x1;
	s6 =	sadd.s32 s21, s4  }
0x9e: {  	[timem:s8], [sflag:s22] =	dma.local [hbm:s6], s20  }
0x9f: {  	_ =	swait.ge [sflag:s22], s20  }
0xa0: {  	s5 =	ssub.s32 $0x0, s20;
	[sflag:s22] =	ssyncset.done $0x0  }
0xa1: {  	[sflag:s22] =	ssyncadd.s32 s5;
	_ =	sdelay $0x1  }
0xa2: {  	s23 =	simm.s32 $0x1B8B  }
0xa3: {  	_ =	swait.ge [sflag:s23], $0x1  }
0xa4: {  	[sflag:s23] =	ssyncset.done $0x0  }
0xa5: {  	s25 =	simm.s32 $0x1B8E;
	s24 =	sld [smem:$0x3FFE];
	[sflag:s23] =	ssyncadd.s32 $0xFFFFFFFF  }
0xa6: {  	s26 =	simm.s32 $execute0_lowered;
	[smem:$0x3FD2] =	sst s25  }
0xa7: {  	s6 =	sshll.u32 s26, $0x1;
	_ =	strace $0x80000046;
	[dreg:$0x1] =	wrdreg $0xFFFFFFFF  }
0xa8: {  	s28 =	simm.s32 $_size_execute0_lowered;
	s4 =	sadd.s32 s4, s6;
	[dreg:$0x0] =	wrdreg $0x0  }
0xa9: {  	s6 =	sshll.u32 s28, $0x1;
	[dreg:$0x2] =	wrdreg s4  }
0xaa: {  	[dreg:$0x3] =	wrdreg s6  }
0xab: {  	[dreg:$0x4] =	wrdreg $0xC0  }
0xac: {  	_ =	task [dreg:s8], $0x5FFFF  }
0xad: {  	[dreg:$0x1] =	wrdreg $0xFFFFFFFF  }
0xae: {  	[dreg:$0x0] =	wrdreg $0x60  }
0xaf: {  	[dreg:$0x2] =	wrdreg s24  }
0xb0: {  	[dreg:$0x3] =	wrdreg s2  }
0xb1: {  	[dreg:$0x4] =	wrdreg s18  }
0xb2: {  	[dreg:$0x5] =	wrdreg $0x9  }
0xb3: {  	_ =	task.clear_ibuf [dreg:s8], $0x6FFFF;
	_ =	strace $0x90000046  }
0xb4: {  	s29 =	simm.s32 $0x9;
	_ =	strace $0x80000048  }
0xb5: {  	_ =	swait.ge [sflag:s29], $0x1  }
0xb6: {  	[sflag:s29] =	ssyncadd.s32 $0xFFFFFFFF  }
0xb7: {  	_ =	strace $0x90000048  }
0xb8: {  	_ =	sfence  }
0xb9: {  	s30 =	sld [smem:$0x0];
	_ =	sdelay $0x2  }
0xba: {  	s31 =	sshll.u32 s1, $0xD;
	s1 =	sshrl.u32 s1, $0x2  }
0xbb: {  	s3 =	sand.u32 $0x4000, s31;
	s1 =	sadd.s32 s1, s30  }
0xbc: {  	s0 =	sor.u32 s3, s0;
	s1 =	sshll.u32 s1, $0x11  }
0xbd: {  	s0 =	sor.u32 s1, s0  }
0xbe: {  	s0 =	sadd.s32 $0x8F2B, s0  }
0xbf: {  	[sflag:s0] =	ssyncadd.remote.s32 $0x1  }
0xc0: {  	_ =	sfence.sel $0xFFFF  }
0xc1: {  	[dreg:$0x0] =	wrdreg $0xFFFFFFFF;
	(pc) =	sbr.abs _section_cstart, $3  }
0xc2: {  	[dreg:$0x1] =	wrdreg $0xFFFFFFFF  }
0xc3: {  	_ =	task.clear_ibuf [dreg:s8], $0x2FFFF;
	_ =	strace $0x9FFFFFFF  }
0xc4: {  	(tm) =	ssettm $0x7FFFFFFF  }
0xc5: {  	_ =	shalt  }
tec
execute0_lowered:
.L_overlay_start_1:
0x0: {  	(tag) =	ssettag $0x1  }
0x1: {  	s0 =	rddreg [dreg:$0x0]  }
0x2: {  	s1 =	rddreg [dreg:$0x1];
	s6 =	stileid.u32  }
0x3: {  	s11 =	rddreg [dreg:$0x2];
	s2 =	simm.s32 $0x0;
	s5 =	srdreg.scid  }
0x4: {  	s16 =	simm.s32 $0x80;
	s17 =	simm.s32 $0x100;
	s18 =	simm.s32 $0x1  }
0x5: {  	s19 =	simm.s32 $0x1800;
	s21 =	simm.s32 $0x2080;
	s22 =	simm.s32 $0x3080  }
0x6: {  	s28 =	simm.s32 $0x7C80;
	s29 =	simm.s32 $0x8880;
	s30 =	simm.s32 $0x0  }
0x7: {  	s3 =	sshll.u32 s6, $0x4;
	[smem:$0x7FF] =	sst s2;
	s4 =	sadd.s32 $0x1400, s0  }
0x8: {  	s10 =	sand.u32 $0x1, s5;
	s6 =	sshll.u32 s6, $0x8;
	s5 =	sadd.s32 $0x401400, s0  }
0x9: {  	s7 =	sadd.s32 $0x61400, s0;
	s3 =	sand.u32 $0x80, s3;
	_ =	strace $0x80000047  }
0xa: {  	s8 =	sshll.u32 s10, $0x7;
	s9 =	sand.u32 $0x700, s6;
	s6 =	sadd.s32 $0x41400, s0  }
0xb: {  	s14 =	ssub.s32 $0x2, s10;
	s10 =	sadd.s32 $0x21400, s0;
	s12 =	sshrl.u32 s3, $0x3  }
0xc: {  	s8 =	sor.u32 s8, s9;
	s9 =	sadd.s32 $0x81400, s0;
	s23 =	sshrl.u32 s14, $0x1  }
0xd: {  	s13 =	sadd.s32 s12, s0;
	s15 =	sshll.u32 s8, $0x4;
	s1 =	sadd.s32 s1, s12  }
0xe: {  	v7 =	vlaneseq.u32;
	s0 =	ssub.s32 s14, s23;
	s24 =	sadd.s32 $0xA1400, s13;
	[dreg:$0x5] =	wrdreg s1  }
0xf: {  	v0 =	vmul.u32 $0x3, v7;
	s15 =	sor.u32 s3, s15;
	s26 =	sadd.s32 $0xA1A00, s13;
	[dreg:$0x4] =	wrdreg s24  }
0x10: {  	v1 =	vmul.u32 $0x40, v7;
	v4 =	vmul.u32 $0x100, v7;
	v7 =	vmul.u32 $0x8, v7;
	s23 =	simm.s32 $0x4080;
	s25 =	sshrl.u32 s15, $0x3;
	[dreg:$0x6] =	wrdreg s26  }
0x11: {  	v2 =	vadd.s32 $0x1, v0;
	s15 =	smax.u32 s0, $0x1;
	s24 =	simm.s32 $0x5080;
	s31 =	sadd.s32 s11, s25  }
0x12: {  	v3 =	vadd.s32 $0x2, v0;
	v5 =	vor.u32 $0x400, v1;
	v6 =	vor.u32 $0x800, v1;
	[tilespmem:$0x1FFF0] =	vst v7;
	s26 =	simm.s32 $0x7080;
	s25 =	simm.s32 $0x6080;
	[dreg:$0x7] =	wrdreg s31  }
.LBB2_1:
0x13: {  	s0 =	rddreg [dreg:$0x4]  }
0x14: {  	[tilespmem:s2], [sflag:$0x1] =	stream.strided.gather [hbm4b:s0+s16], $0x1800, s17, s16, $0x38;
	[tilespmem:$0x8C80] =	vst v63  }
0x15: {  	_ =	swait.ge [sflag:s18], $0x1800  }
0x16: {  	[sflag:s18] =	ssyncset.done $0x0  }
0x17: {  	s14 =	rddreg [dreg:$0x5];
	[sflag:s18] =	ssyncadd.s32 $0xFFFFE800  }
0x18: {  	[tilespmem:s19], [sflag:$0x1] =	stream.strided.gather [hbm4b:s14+s16], $0x800, s17, s16, $0x38;
	[tilespmem:$0x8C80] =	vst v63  }
0x19: {  	_ =	swait.ge [sflag:s18], $0x800  }
0x1a: {  	[sflag:s18] =	ssyncset.done $0x0  }
0x1b: {  	s1 =	simm.s32 $0x2000;
	s20 =	rddreg [dreg:$0x6];
	[sflag:s18] =	ssyncadd.s32 $0xFFFFF800  }
0x1c: {  	[tilespmem:s1], [sflag:$0x1] =	stream.linear.gather [hbm4b:s20+s2], $0x80, $0x38;
	[tilespmem:$0x8C80] =	vst v63  }
0x1d: {  	_ =	swait.ge [sflag:s18], $0x80  }
0x1e: {  	[sflag:s18] =	ssyncset.done $0x0  }
0x1f: {  	[sflag:s18] =	ssyncadd.s32 $0xFFFFFF80  }
0x20: {  	v15 =	vld [tilespmem:$0x2000];
	_ =	sdelay $0x4  }
0x21: {  	v16 =	vadd.f32 $0.0e+00, v15;
	_ =	sdelay $0x1  }
0x22: {  	v8 =	vbroadcast v16, $0x0  }
0x23: {  	v9 =	vbroadcast v16, $0x1;
	v10 =	vbroadcast v16, $0x2  }
0x24: {  	v11 =	vbroadcast v16, $0x3;
	v12 =	vbroadcast v16, $0x4  }
0x25: {  	v20 =	vsub.f32 $0.0e+00, v15;
	v13 =	vbroadcast v16, $0x5;
	v14 =	vbroadcast v16, $0x6  }
0x26: {  	v15 =	vbroadcast v16, $0x7;
	v16 =	vbroadcast v16, $0x8  }
0x27: {  	v17 =	vbroadcast v20, $0x9;
	v18 =	vbroadcast v20, $0xA  }
0x28: {  	s31 =	simm.s32 $0x0;
	v19 =	vbroadcast v20, $0xB;
	v20 =	vbroadcast v20, $0xC  }
.LBB2_2:
0x29: {  	s1 =	sshll.u32 s31, $0x4  }
0x2a: {  	s0 =	sor.u32 s8, s1  }
0x2b: {  	s11 =	sshll.u32 s0, $0x9  }
0x2c: {  	s11 =	sor.u32 s3, s11  }
0x2d: {  	s11 =	sshrl.u32 s11, $0x3  }
0x2e: {  	s12 =	sadd.s32 s6, s11  }
0x2f: {  	[tilespmem:s21], [sflag:$0x1] =	stream.strided.gather [hbm4b:s12+s16], $0x1000, s17, s16, $0x38;
	[tilespmem:$0x8C80] =	vst v63  }
0x30: {  	_ =	swait.ge [sflag:s18], $0x1000  }
0x31: {  	[sflag:s18] =	ssyncset.done $0x0  }
0x32: {  	s20 =	sadd.s32 s7, s11;
	[sflag:s18] =	ssyncadd.s32 $0xFFFFF000  }
0x33: {  	[tilespmem:s22], [sflag:$0x1] =	stream.strided.gather [hbm4b:s20+s16], $0x1000, s17, s16, $0x38;
	[tilespmem:$0x8C80] =	vst v63  }
0x34: {  	_ =	swait.ge [sflag:s18], $0x1000  }
0x35: {  	[sflag:s18] =	ssyncset.done $0x0  }
0x36: {  	s13 =	sadd.s32 s9, s11;
	[sflag:s18] =	ssyncadd.s32 $0xFFFFF000  }
0x37: {  	[tilespmem:s23], [sflag:$0x1] =	stream.strided.gather [hbm4b:s13+s16], $0x1000, s17, s16, $0x38;
	[tilespmem:$0x8C80] =	vst v63  }
0x38: {  	_ =	swait.ge [sflag:s18], $0x1000  }
0x39: {  	[sflag:s18] =	ssyncset.done $0x0  }
0x3a: {  	s14 =	sadd.s32 s10, s11;
	[sflag:s18] =	ssyncadd.s32 $0xFFFFF000  }
0x3b: {  	[tilespmem:s24], [sflag:$0x1] =	stream.strided.gather [hbm4b:s14+s16], $0x1000, s17, s16, $0x38;
	[tilespmem:$0x8C80] =	vst v63  }
0x3c: {  	s13 =	simm.s32 $0x0;
	_ =	swait.ge [sflag:s18], $0x1000  }
0x3d: {  	v21 =	vmov s13;
	[sflag:s18] =	ssyncset.done $0x0  }
0x3e: {  	s11 =	sadd.s32 s4, s11;
	s20 =	smul.u32 $0x180, s0;
	v21 =	vmul.u32 $0x3, v21;
	[sflag:s18] =	ssyncadd.s32 $0xFFFFF000  }
0x3f: {  	[tilespmem:s25], [sflag:$0x1] =	stream.strided.gather [hbm4b:s11+s16], $0x1000, s17, s16, $0x38;
	[tilespmem:$0x8C80] =	vst v63  }
0x40: {  	s12 =	sor.u32 s3, s20;
	v21 =	vbroadcast v21, $0x0;
	_ =	swait.ge [sflag:s18], $0x1000  }
0x41: {  	s11 =	sshrl.u32 s12, $0x3;
	[sflag:s18] =	ssyncset.done $0x0  }
0x42: {  	v22 =	vadd.s32 v0, v21;
	s11 =	sadd.s32 s5, s11;
	[sflag:s18] =	ssyncadd.s32 $0xFFFFF000  }
0x43: {  	v23 =	vadd.s32 v2, v21;
	[tilespmem:s26], [sflag:$0x1] =	stream.strided.gather [hbm4b:s11+s16], $0xC00, s17, s16, $0x38;
	[tilespmem:$0x8C80] =	vst v63  }
0x44: {  	_ =	swait.ge [sflag:s18], $0xC00  }
0x45: {  	v21 =	vadd.s32 v3, v21;
	[sflag:s18] =	ssyncset.done $0x0  }
0x46: {  	[sflag:s18] =	ssyncadd.s32 $0xFFFFF400  }
0x47: {  	v22 =	vld.idx.msk [tilespmem:v22+s26+$0x0], $0xffff  }
0x48: {  	v23 =	vld.idx.msk [tilespmem:v23+s26+$0x0], $0xffff;
	_ =	sdelay $0x1  }
0x49: {  	v21 =	vld.idx.msk [tilespmem:v21+s26+$0x0], $0xffff  }
0x4a: {  	s20 =	simm.s32 $0x10  }
0x4b: {  	v24 =	vmov s20;
	v25 =	vmul.f32 v22, v8;
	v26 =	vmul.f32 v22, v9  }
0x4c: {  	v24 =	vmul.u32 $0x3, v24;
	v27 =	vmul.f32 v23, v11;
	v28 =	vmul.f32 v23, v12  }
0x4d: {  	v22 =	vmul.f32 v22, v10;
	v23 =	vmul.f32 v23, v13  }
0x4e: {  	v24 =	vbroadcast v24, $0x0;
	v25 =	vadd.f32 v27, v25;
	v27 =	vmul.f32 v21, v14  }
0x4f: {  	v26 =	vadd.f32 v28, v26;
	v22 =	vadd.f32 v23, v22;
	v23 =	vmul.f32 v21, v16  }
0x50: {  	v21 =	vmul.f32 v21, v15;
	v28 =	vadd.s32 v0, v24;
	v25 =	vadd.f32 v27, v25  }
0x51: {  	s12 =	simm.s32 $0x7C80;
	v27 =	vadd.s32 v2, v24;
	v22 =	vadd.f32 v23, v22  }
0x52: {  	s14 =	sand.u32 $0x3F0, s13;
	v21 =	vadd.f32 v21, v26;
	[tilespmem:s12+$0x0] =	vst v25  }
0x53: {  	[tilespmem:s14+$0x8480] =	vst v22;
	v22 =	vadd.s32 v3, v24  }
0x54: {  	[tilespmem:s14+$0x8080] =	vst v21  }
0x55: {  	s11 =	simm.s32 $0x20;
	v28 =	vld.idx.msk [tilespmem:v28+s26+$0x0], $0xffff  }
0x56: {  	v21 =	vmov s11;
	v29 =	vld.idx.msk [tilespmem:v27+s26+$0x0], $0xffff  }
0x57: {  	v21 =	vmul.u32 $0x3, v21  }
0x58: {  	v22 =	vld.idx.msk [tilespmem:v22+s26+$0x0], $0xffff  }
0x59: {  	v21 =	vbroadcast v21, $0x0  }
0x5a: {  	v24 =	vmul.f32 v28, v8;
	v23 =	vmul.f32 v28, v9  }
0x5b: {  	v26 =	vmul.f32 v29, v11;
	v25 =	vmul.f32 v29, v12  }
0x5c: {  	s13 =	simm.s32 $0x30;
	v27 =	vmul.f32 v28, v10;
	v28 =	vmul.f32 v29, v13  }
.LBB2_3:
0x5d: {  	p0 =	sne.s32 s13, $0x3F0;
	v24 =	vadd.f32 v26, v24;
	v26 =	vmul.f32 v22, v14;
	v23 =	vadd.f32 v25, v23  }
0x5e: {  	v25 =	vmul.f32 v22, v15;
	v22 =	vmul.f32 v22, v16;
	v27 =	vadd.f32 v28, v27  }
0x5f: {  	v28 =	vadd.s32 v0, v21;
	v24 =	vadd.f32 v26, v24  }
0x60: {  	s12 =	sadd.s32 $0x10, s12;
	v26 =	vadd.s32 v2, v21;
	v23 =	vadd.f32 v25, v23;
	v22 =	vadd.f32 v22, v27  }
0x61: {  	s14 =	sand.u32 $0x3F0, s20;
	s20 =	smov.u32 s11;
	s11 =	smov.u32 s13;
	[tilespmem:s12+$0x0] =	vst v24  }
0x62: {  	v21 =	vadd.s32 v3, v21;
	[tilespmem:s14+$0x8480] =	vst v22  }
0x63: {  	[tilespmem:s14+$0x8080] =	vst v23  }
0x64: {  	v27 =	vld.idx.msk [tilespmem:v28+s26+$0x0], $0xffff  }
0x65: {  	v28 =	vld.idx.msk [tilespmem:v26+s26+$0x0], $0xffff  }
0x66: {  	v22 =	vmov s13  }
0x67: {  	v23 =	vmul.u32 $0x3, v22;
	v22 =	vld.idx.msk [tilespmem:v21+s26+$0x0], $0xffff  }
.Ltmp0:
0x68: {  	(pc) =	sbr.rel @p0 .LBB2_3-.Ltmp0, $4  }
0x69: {  	v21 =	vbroadcast v23, $0x0  }
0x6a: {  	v24 =	vmul.f32 v27, v8;
	v23 =	vmul.f32 v27, v9  }
0x6b: {  	v26 =	vmul.f32 v28, v11;
	v25 =	vmul.f32 v28, v12  }
0x6c: {  	s13 =	sadd.s32 $0x10, s13;
	v27 =	vmul.f32 v27, v10;
	v28 =	vmul.f32 v28, v13  }
0x6d: {  	v24 =	vadd.f32 v26, v24;
	v26 =	vmul.f32 v22, v14  }
0x6e: {  	v23 =	vadd.f32 v25, v23;
	v25 =	vadd.f32 v28, v27;
	v27 =	vmul.f32 v22, v16  }
0x6f: {  	v22 =	vmul.f32 v22, v15;
	v28 =	vadd.s32 v0, v21;
	v24 =	vadd.f32 v26, v24  }
0x70: {  	s12 =	sadd.s32 $0x10, s12;
	v26 =	vadd.s32 v2, v21;
	v25 =	vadd.f32 v27, v25  }
0x71: {  	s13 =	sand.u32 $0x3F0, s20;
	v22 =	vadd.f32 v22, v23;
	[tilespmem:s12+$0x0] =	vst v24  }
0x72: {  	v21 =	vadd.s32 v3, v21;
	[tilespmem:s13+$0x8480] =	vst v25  }
0x73: {  	[tilespmem:s13+$0x8080] =	vst v22  }
0x74: {  	v22 =	vld.idx.msk [tilespmem:v28+s26+$0x0], $0xffff  }
0x75: {  	v23 =	vld.idx.msk [tilespmem:v26+s26+$0x0], $0xffff;
	_ =	sdelay $0x1  }
0x76: {  	v21 =	vld.idx.msk [tilespmem:v21+s26+$0x0], $0xffff;
	_ =	sdelay $0x1  }
0x77: {  	v24 =	vmul.f32 v22, v8;
	v25 =	vmul.f32 v22, v9  }
0x78: {  	v22 =	vmul.f32 v22, v10;
	v26 =	vmul.f32 v23, v11  }
0x79: {  	v27 =	vmul.f32 v23, v12;
	v23 =	vmul.f32 v23, v13  }
0x7a: {  	v24 =	vadd.f32 v26, v24;
	v26 =	vmul.f32 v21, v14  }
0x7b: {  	s20 =	simm.s32 $0x0;
	v27 =	vadd.f32 v27, v25;
	v22 =	vadd.f32 v23, v22;
	v23 =	vmul.f32 v21, v16  }
0x7c: {  	v21 =	vmul.f32 v21, v15;
	v25 =	vor.u32 s20, v4;
	v24 =	vadd.f32 v26, v24  }
0x7d: {  	s12 =	sadd.s32 $0x10, s12;
	v22 =	vadd.f32 v23, v22  }
0x7e: {  	s11 =	sand.u32 $0x3F0, s11;
	v21 =	vadd.f32 v21, v27;
	[tilespmem:s12+$0x0] =	vst v24  }
0x7f: {  	[tilespmem:s11+$0x8480] =	vst v22  }
0x80: {  	[tilespmem:s11+$0x8080] =	vst v21  }
0x81: {  	v21 =	vld.idx.msk [tilespmem:v25+s23+$0x0], $0xffff;
	_ =	sdelay $0x1  }
0x82: {  	v22 =	vld.idx.msk [tilespmem:v25+s24+$0x0], $0xffff  }
0x83: {  	v28 =	vld.idx.msk [tilespmem:v25+s21+$0x0], $0xffff  }
0x84: {  	v29 =	vld.idx.msk [tilespmem:v25+s22+$0x0], $0xffff  }
0x85: {  	v23 =	vadd.s32 v6, v21  }
0x86: {  	v24 =	vadd.s32 v1, v21  }
0x87: {  	v27 =	vadd.s32 v1, v22  }
0x88: {  	v26 =	vmul.u32 $0x3, v28;
	v31 =	vadd.s32 v6, v22  }
0x89: {  	v30 =	vmul.u32 $0x3, v29  }
0x8a: {  	v32 =	vld.idx.msk [tilespmem:v23+s28+$0x0], $0xffff  }
0x8b: {  	v21 =	vadd.s32 v5, v21;
	v24 =	vld.idx.msk [tilespmem:v24+s28+$0x0], $0xffff  }
0x8c: {  	v33 =	vmov s0;
	v22 =	vadd.s32 v5, v22;
	v27 =	vld.idx.msk [tilespmem:v27+s28+$0x0], $0xffff  }
0x8d: {  	v33 =	vmul.u32 $0x3, v33;
	v23 =	vadd.s32 $0x2, v26;
	v31 =	vld.idx.msk [tilespmem:v31+s28+$0x0], $0xffff  }
0x8e: {  	v34 =	vld.idx.msk [tilespmem:v26+s2+$0x0], $0xffff;
	v26 =	vadd.s32 $0x1, v26  }
0x8f: {  	v33 =	vbroadcast v33, $0x0;
	v35 =	vadd.s32 $0x2, v30;
	v36 =	vld.idx.msk [tilespmem:v30+s2+$0x0], $0xffff;
	v30 =	vadd.s32 $0x1, v30  }
0x90: {  	v38 =	vld.idx.msk [tilespmem:v21+s28+$0x0], $0xffff  }
0x91: {  	v21 =	vadd.s32 v2, v33;
	v39 =	vld.idx.msk [tilespmem:v22+s28+$0x0], $0xffff  }
0x92: {  	v37 =	vld.idx.msk [tilespmem:v23+s2+$0x0], $0xffff;
	v23 =	vadd.s32 v0, v33  }
0x93: {  	v33 =	vadd.s32 v3, v33;
	v26 =	vld.idx.msk [tilespmem:v26+s2+$0x0], $0xffff  }
0x94: {  	v30 =	vld.idx.msk [tilespmem:v30+s2+$0x0], $0xffff  }
0x95: {  	v35 =	vld.idx.msk [tilespmem:v35+s2+$0x0], $0xffff  }
0x96: {  	v22 =	vld.idx.msk [tilespmem:v21+s20+$0x0], $0xffff  }
0x97: {  	v23 =	vld.idx.msk [tilespmem:v23+s20+$0x0], $0xffff  }
0x98: {  	v24 =	vadd.f32 v24, v34;
	v27 =	vadd.f32 v27, v36;
	v21 =	vld.idx.msk [tilespmem:v33+s20+$0x0], $0xffff  }
0x99: {  	v26 =	vadd.f32 v38, v26;
	v30 =	vadd.f32 v39, v30  }
0x9a: {  	v31 =	vadd.f32 v31, v35;
	v32 =	vadd.f32 v32, v37  }
0x9b: {  	v58 =	vsub.f32 v26, v22;
	v59 =	vsub.f32 v30, v22  }
0x9c: {  	v56 =	vsub.f32 v24, v23;
	v57 =	vsub.f32 v27, v23  }
0x9d: {  	v37 =	vsub.f32 v32, v21;
	v35 =	vmul.f32 v58, v58;
	v36 =	vmul.f32 v59, v59  }
0x9e: {  	v60 =	vsub.f32 v31, v21;
	v33 =	vmul.f32 v56, v56;
	v34 =	vmul.f32 v57, v57  }
0x9f: {  	v26 =	vsub.f32 v26, v30;
	v27 =	vsub.f32 v24, v27;
	v37 =	vmul.f32 v37, v37  }
0xa0: {  	v61 =	vmul.f32 v60, v60;
	v33 =	vadd.f32 v35, v33;
	v34 =	vadd.f32 v36, v34  }
0xa1: {  	v31 =	vsub.f32 v32, v31;
	v26 =	vmul.f32 v26, v26;
	v27 =	vmul.f32 v27, v27  }
0xa2: {  	s13 =	simm.s32 $0x1;
	v29 =	vld.idx.msk [tilespmem:v29+s19+$0x0], $0xffff;
	v33 =	vadd.f32 v37, v33;
	v34 =	vadd.f32 v61, v34  }
0xa3: {  	v24 =	vor.u32 s13, v4;
	v26 =	vadd.f32 v26, v27  }
0xa4: {  	v27 =	vmul.f32 v31, v31;
	v33 =	vadd.f32 $9.999999960e-13, v33;
	v34 =	vadd.f32 $9.999999960e-13, v34;
	_ =	sdelay $0x1  }
0xa5: {  	v26 =	vadd.f32 v27, v26;
	v30 =	vmul.f32 v34, v33  }
0xa6: {  	v29 =	vcvt.s32.f32 v29  }
0xa7: {  	v28 =	vld.idx.msk [tilespmem:v28+s19+$0x0], $0xffff;
	v39 =	vadd.f32 $9.999999960e-13, v26;
	v62 =	vshra.s32 v30, $0x1;
	v30 =	vmul.f32 $5.000000000e-01, v30  }
0xa8: {  	v57 =	vld.idx.msk [tilespmem:v24+s23+$0x0], $0xffff;
	v63 =	vmul.f32 $3.999999910e-02, v33;
	v59 =	vmul.f32 $3.999999910e-02, v34;
	v32 =	vsub.s32 $0x5F3759DF, v62  }
0xa9: {  	v41 =	vmul.f32 $3.999999910e-02, v39;
	v31 =	vmul.f32 v32, v30  }
0xaa: {  	v58 =	vmul.f32 $1.593910740e-03, v63;
	v40 =	vmul.f32 $1.593910740e-03, v59  }
0xab: {  	v44 =	vmul.f32 $1.593910740e-03, v41;
	v27 =	vmul.f32 v32, v31  }
0xac: {  	v28 =	vcvt.s32.f32 v28;
	v26 =	vld.idx.msk [tilespmem:v24+s21+$0x0], $0xffff;
	v37 =	vadd.f32 $-2.535898420e-02, v58;
	v40 =	vadd.f32 $-2.535898420e-02, v40  }
0xad: {  	v42 =	vadd.s32 v6, v57;
	v44 =	vadd.f32 $-2.535898420e-02, v44;
	v27 =	vsub.f32 $1.500000000e+00, v27  }
0xae: {  	v46 =	vadd.s32 v1, v57;
	v37 =	vmul.f32 v37, v63;
	v40 =	vmul.f32 v40, v59  }
0xaf: {  	v52 =	vadd.f32 v34, v33;
	v31 =	vld.idx.msk [tilespmem:v24+s24+$0x0], $0xffff;
	v44 =	vmul.f32 v44, v41;
	v32 =	vmul.f32 v32, v27  }
0xb0: {  	v36 =	vadd.s32 v5, v57;
	v37 =	vadd.f32 $2.350298020e-01, v37;
	v40 =	vadd.f32 $2.350298020e-01, v40  }
0xb1: {  	v48 =	vmul.u32 $0x3, v26;
	v44 =	vadd.f32 $2.350298020e-01, v44;
	v45 =	vmul.f32 v32, v30  }
0xb2: {  	vm0 =	vlt.f32 v33, $2.500000000e+01;
	v37 =	vmul.f32 v37, v63;
	v40 =	vmul.f32 v40, v59  }
0xb3: {  	v60 =	vadd.s32 $0x2, v48;
	v27 =	vld.idx.msk [tilespmem:v24+s22+$0x0], $0xffff;
	v44 =	vmul.f32 v44, v41;
	v45 =	vmul.f32 v45, v32  }
0xb4: {  	v47 =	vadd.s32 v1, v31;
	v37 =	vadd.f32 $-1.335158470e+00, v37;
	v40 =	vadd.f32 $-1.335158470e+00, v40  }
0xb5: {  	v42 =	vld.idx.msk [tilespmem:v42+s28+$0x0], $0xffff;
	v51 =	vadd.s32 $0x1, v48;
	v44 =	vadd.f32 $-1.335158470e+00, v44;
	v45 =	vsub.f32 $1.500000000e+00, v45  }
0xb6: {  	v46 =	vld.idx.msk [tilespmem:v46+s28+$0x0], $0xffff;
	v43 =	vadd.s32 v6, v31;
	v37 =	vmul.f32 v37, v63;
	v40 =	vmul.f32 v40, v59  }
0xb7: {  	v26 =	vld.idx.msk [tilespmem:v26+s19+$0x0], $0xffff;
	v31 =	vadd.s32 v5, v31;
	v44 =	vmul.f32 v44, v41;
	v32 =	vmul.f32 v45, v32  }
0xb8: {  	v48 =	vld.idx.msk [tilespmem:v48+s2+$0x0], $0xffff;
	v49 =	vmul.u32 $0x3, v27;
	v37 =	vadd.f32 $4.058694840e+00, v37;
	v40 =	vadd.f32 $4.058694840e+00, v40  }
0xb9: {  	v54 =	vsub.f32 v52, v39;
	v47 =	vld.idx.msk [tilespmem:v47+s28+$0x0], $0xffff;
	v44 =	vadd.f32 $4.058694840e+00, v44;
	v30 =	vmul.f32 v32, v30  }
0xba: {  	v50 =	vadd.s32 $0x2, v49;
	v37 =	vmul.f32 v37, v63;
	v40 =	vmul.f32 v40, v59;
	v45 =	vld.idx.msk [tilespmem:v60+s2+$0x0], $0xffff  }
0xbb: {  	v53 =	vadd.s32 $0x1, v49;
	v62 =	vmul.f32 v44, v41;
	v27 =	vld.idx.msk [tilespmem:v27+s19+$0x0], $0xffff;
	v30 =	vmul.f32 v30, v32  }
0xbc: {  	v54 =	vmul.f32 $5.000000000e-01, v54;
	v43 =	vld.idx.msk [tilespmem:v43+s28+$0x0], $0xffff;
	v37 =	vadd.f32 $-4.934801100e+00, v37;
	v61 =	vadd.f32 $-4.934801100e+00, v40  }
0xbd: {  	v26 =	vcvt.s32.f32 v26;
	v31 =	vld.idx.msk [tilespmem:v31+s28+$0x0], $0xffff;
	v40 =	vadd.f32 $-4.934801100e+00, v62;
	v30 =	vsub.f32 $1.500000000e+00, v30  }
0xbe: {  	v38 =	vadd.f32 v46, v48;
	v49 =	vld.idx.msk [tilespmem:v49+s2+$0x0], $0xffff;
	v35 =	vmul.f32 v37, v63;
	v37 =	vadd.f32 v52, v39  }
0xbf: {  	v63 =	vld.idx.msk [tilespmem:v50+s2+$0x0], $0xffff;
	v40 =	vmul.f32 v40, v41;
	v56 =	vadd.f32 v42, v45;
	v30 =	vmul.f32 v30, v32  }
0xc0: {  	v55 =	vld.idx.msk [tilespmem:v53+s2+$0x0], $0xffff;
	v27 =	vcvt.s32.f32 v27;
	v35 =	vadd.f32 $1.000000000e+00, v35;
	v52 =	vmul.f32 v37, v20  }
0xc1: {  	v58 =	vadd.f32 $1.000000000e+00, v40;
	v53 =	vmul.f32 v37, v19;
	v32 =	vld.idx.msk [tilespmem:v36+s28+$0x0], $0xffff;
	v30 =	vmul.f32 v30, v54  }
0xc2: {  	v42 =	vsub.f32 v56, v21;
	v36 =	vmul.f32 v61, v59;
	v35 =	vmul.f32 $5.000000000e-01, v35;
	v54 =	vld.idx.msk [tilespmem:v51+s2+$0x0], $0xffff  }
0xc3: {  	v47 =	vadd.f32 v47, v49;
	v60 =	vmul.f32 $5.000000000e-01, v58;
	v30 =	vsub.f32 $1.000000000e+00, v30  }
0xc4: {  	v49 =	vmul.f32 $1.442695020e+00, v52;
	v52 =	vmul.f32 v37, v18;
	v59 =	vadd.f32 v43, v63  }
0xc5: {  	v31 =	vadd.f32 v31, v55;
	v36 =	vadd.f32 $1.000000000e+00, v36;
	v28 =	vmul.f32 v28, v30  }
0xc6: {  	v42 =	vmul.f32 v42, v42;
	v61 =	vsub.f32 v47, v23;
	v30 =	vadd.f32 $5.000000000e-01, v35  }
0xc7: {  	v33 =	vadd.f32 $5.000000000e-01, v60;
	v32 =	vadd.f32 v32, v54;
	v28 =	vmul.f32 v29, v28  }
0xc8: {  	v63 =	vsub.f32 v31, v22;
	v57 =	vmul.f32 $5.000000000e-01, v36;
	v29 =	vnsel vm0, $0x0, v30  }
0xc9: {  	v62 =	vsub.f32 v32, v22;
	v28 =	vmul.f32 v28, v29;
	v29 =	vsub.f32 v38, v23  }
0xca: {  	v43 =	vsub.f32 v59, v21;
	v36 =	vmul.f32 v63, v63;
	v35 =	vmul.f32 v61, v61  }
0xcb: {  	vm0 =	vlt.f32 v34, $2.500000000e+01;
	v34 =	vmul.f32 v62, v62;
	v29 =	vmul.f32 v29, v29  }
0xcc: {  	(erf) = vpow2.f32 v49;
	v51 =	vmul.f32 v37, v17;
	v30 =	vadd.f32 $5.000000000e-01, v57  }
0xcd: {  	v48 =	vmul.f32 v43, v43;
	v45 =	vadd.f32 v36, v35;
	v29 =	vadd.f32 v34, v29  }
0xce: {  	v55 =	vsub.f32 v56, v59;
	v30 =	vnsel vm0, $0x0, v30;
	vm0 =	vlt.f32 v39, $2.500000000e+01  }
0xcf: {  	v28 =	vmul.f32 v28, v30;
	v34 =	vadd.f32 v48, v45;
	v50 =	vadd.f32 v42, v29  }
0xd0: {  	v57 =	vmul.f32 v55, v55;
	v35 =	vmul.f32 $1.442695020e+00, v51;
	v30 =	vnsel vm0, $0x0, v33  }
0xd1: {  	v29 =	vmul.f32 v28, v30;
	v30 =	vadd.f32 $9.999999960e-13, v34;
	v33 =	vadd.f32 $9.999999960e-13, v50  }
0xd2: {  	v31 =	vsub.f32 v32, v31;
	v32 =	vmul.f32 $1.442695020e+00, v53;
	v28 =	vsub.f32 v38, v47  }
0xd3: {  	(erf) = vpow2.f32 v35;
	v54 =	vmul.f32 v30, v33  }
0xd4: {  	s14 =	simm.s32 $0x2;
	v25 =	vld.idx.msk [tilespmem:v25+s25+$0x0], $0xffff;
	v31 =	vmul.f32 v31, v31;
	v38 =	vmul.f32 v28, v28  }
0xd5: {  	v28 =	vor.u32 s14, v4;
	v56 =	vshra.s32 v54, $0x1;
	v40 =	vmul.f32 $5.000000000e-01, v54  }
0xd6: {  	v41 =	vmul.f32 $3.999999910e-02, v30;
	v31 =	vadd.f32 v31, v38;
	v58 =	vsub.s32 $0x5F3759DF, v56  }
0xd7: {  	v39 =	vmul.f32 $3.999999910e-02, v33;
	v59 =	vmul.f32 v58, v40  }
0xd8: {  	v34 =	vmul.f32 $1.442695020e+00, v52;
	v52 =	vmul.f32 $1.593910740e-03, v41;
	v31 =	vadd.f32 v57, v31  }
0xd9: {  	vm0 =	veq.f32 v25, $0.0e+00;
	v62 =	vmul.f32 $1.593910740e-03, v39;
	v60 =	vmul.f32 v58, v59  }
0xda: {  	(erf) = vpow2.f32 v34;
	v42 =	vadd.f32 $-2.535898420e-02, v52;
	v61 =	vld.idx.msk [tilespmem:v28+s23+$0x0], $0xffff;
	v31 =	vadd.f32 $9.999999960e-13, v31  }
0xdb: {  	(erf) = vpow2.f32 v32;
	v63 =	vld.idx.msk [tilespmem:v28+s24+$0x0], $0xffff;
	v51 =	vadd.f32 $-2.535898420e-02, v62;
	v36 =	vsub.f32 $1.500000000e+00, v60  }
0xdc: {  	v29 =	vsel vm0, $0x0, v29;
	v42 =	vmul.f32 v42, v41;
	v38 =	vmul.f32 $3.999999910e-02, v31  }
0xdd: {  	vm1 =	vlt.f32 v33, $2.500000000e+01;
	v25 =	vmul.f32 v51, v39;
	v53 =	vmul.f32 v58, v36  }
0xde: {  	v37 =	vld.idx.msk [tilespmem:v28+s22+$0x0], $0xffff;
	v62 =	vadd.f32 v30, v33;
	v42 =	vadd.f32 $2.350298020e-01, v42;
	v54 =	vmul.f32 $1.593910740e-03, v38  }
0xdf: {  	v44 =	vadd.s32 v6, v61;
	v25 =	vadd.f32 $2.350298020e-01, v25;
	v55 =	vmul.f32 v53, v40  }
0xe0: {  	v46 =	vadd.s32 v6, v63;
	v42 =	vmul.f32 v42, v41;
	v32 =	vadd.f32 $-2.535898420e-02, v54  }
0xe1: {  	v56 =	vadd.s32 v1, v61;
	v25 =	vmul.f32 v25, v39;
	v45 =	vmul.f32 v55, v53  }
0xe2: {  	v57 =	vadd.s32 v1, v63;
	v36 =	vld.idx.msk [tilespmem:v28+s21+$0x0], $0xffff;
	v42 =	vadd.f32 $-1.335158470e+00, v42;
	v32 =	vmul.f32 v32, v38  }
0xe3: {  	v59 =	vmul.u32 $0x3, v37;
	v25 =	vadd.f32 $-1.335158470e+00, v25;
	v45 =	vsub.f32 $1.500000000e+00, v45  }
0xe4: {  	v35 =	vadd.s32 v5, v61;
	v42 =	vmul.f32 v42, v41;
	v32 =	vadd.f32 $2.350298020e-01, v32  }
0xe5: {  	v34 =	vadd.s32 v5, v63;
	v25 =	vmul.f32 v25, v39;
	v43 =	vmul.f32 v45, v53  }
0xe6: {  	v63 =	vsub.f32 v62, v31;
	v42 =	vadd.f32 $4.058694840e+00, v42;
	v32 =	vmul.f32 v32, v38  }
0xe7: {  	v58 =	vmul.u32 $0x3, v36;
	v25 =	vadd.f32 $4.058694840e+00, v25;
	v40 =	vmul.f32 v43, v40  }
0xe8: {  	v54 =	vmul.f32 $5.000000000e-01, v63;
	v48 =	vld.idx.msk [tilespmem:v57+s28+$0x0], $0xffff;
	v42 =	vmul.f32 v42, v41;
	v32 =	vadd.f32 $-1.335158470e+00, v32  }
0xe9: {  	v61 =	vadd.s32 $0x2, v59;
	v55 =	vld.idx.msk [tilespmem:v59+s2+$0x0], $0xffff;
	v25 =	vmul.f32 v25, v39;
	v40 =	vmul.f32 v40, v43  }
0xea: {  	v60 =	vadd.s32 $0x2, v58;
	v45 =	vadd.f32 v62, v31;
	v32 =	vmul.f32 v32, v38  }
0xeb: {  	v47 =	vld.idx.msk [tilespmem:v56+s28+$0x0], $0xffff;
	v53 =	vadd.s32 $0x1, v58;
	v25 =	vadd.f32 $-4.934801100e+00, v25;
	v40 =	vsub.f32 $1.500000000e+00, v40  }
0xec: {  	v50 =	vadd.s32 $0x1, v59;
	v44 =	vld.idx.msk [tilespmem:v44+s28+$0x0], $0xffff;
	v51 =	vmul.f32 v45, v17;
	v32 =	vadd.f32 $4.058694840e+00, v32  }
0xed: {  	v49 =	vld.idx.msk [tilespmem:v58+s2+$0x0], $0xffff;
	v58 =	vadd.f32 $-4.934801100e+00, v42;
	v25 =	vmul.f32 v25, v39;
	v40 =	vmul.f32 v40, v43  }
0xee: {  	v35 =	vld.idx.msk [tilespmem:v35+s28+$0x0], $0xffff;
	v48 =	vadd.f32 v48, v55;
	v52 =	vmul.f32 v45, v18;
	v32 =	vmul.f32 v32, v38  }
0xef: {  	v57 =	vld.idx.msk [tilespmem:v60+s2+$0x0], $0xffff;
	v39 =	vmul.f32 v58, v41;
	v25 =	vadd.f32 $1.000000000e+00, v25;
	v40 =	vmul.f32 v40, v54  }
0xf0: {  	v60 =	vmul.f32 v45, v20;
	v63 =	vld.idx.msk [tilespmem:v53+s2+$0x0], $0xffff;
	v53 =	vmul.f32 v45, v19;
	v32 =	vadd.f32 $-4.934801100e+00, v32  }
0xf1: {  	v59 =	vld.idx.msk [tilespmem:v46+s28+$0x0], $0xffff;
	v39 =	vadd.f32 $1.000000000e+00, v39;
	v25 =	vmul.f32 $5.000000000e-01, v25;
	v40 =	vsub.f32 $1.000000000e+00, v40  }
0xf2: {  	v61 =	vld.idx.msk [tilespmem:v61+s2+$0x0], $0xffff;
	v62 =	vmul.f32 $1.442695020e+00, v60;
	v46 =	vadd.f32 v47, v49;
	v32 =	vmul.f32 v32, v38  }
0xf3: {  	v34 =	vld.idx.msk [tilespmem:v34+s28+$0x0], $0xffff;
	v49 =	vmul.f32 $5.000000000e-01, v39;
	v25 =	vadd.f32 $5.000000000e-01, v25;
	v26 =	vmul.f32 v26, v40  }
0xf4: {  	(erf) = vpow2.f32 v62;
	v43 =	vadd.f32 v44, v57;
	v44 =	vld.idx.msk [tilespmem:v50+s2+$0x0], $0xffff;
	v32 =	vadd.f32 $1.000000000e+00, v32  }
0xf5: {  	v24 =	vld.idx.msk [tilespmem:v24+s25+$0x0], $0xffff;
	v56 =	vadd.f32 $5.000000000e-01, v49;
	v25 =	vnsel vm1, $0x0, v25;
	v26 =	vmul.f32 v27, v26  }
0xf6: {  	v57 =	vpop (erf);
	vm1 =	vlt.f32 v30, $2.500000000e+01;
	v30 =	vadd.f32 v35, v63;
	v27 =	vmul.f32 $5.000000000e-01, v32  }
0xf7: {  	v50 =	vadd.f32 v59, v61;
	v33 =	vmul.f32 v29, v57;
	v25 =	vmul.f32 v26, v25  }
0xf8: {  	v58 =	vsub.f32 v30, v22;
	v26 =	vadd.f32 $5.000000000e-01, v27;
	v27 =	vnsel vm1, $0x0, v56  }
0xf9: {  	vm1 =	vlt.f32 v31, $2.500000000e+01;
	v31 =	vadd.f32 v34, v44;
	v25 =	vmul.f32 v25, v27  }
0xfa: {  	v26 =	vnsel vm1, $0x0, v26;
	vm1 =	veq.f32 v24, $0.0e+00;
	v24 =	vsub.f32 v46, v23  }
0xfb: {  	v34 =	vmul.f32 v58, v58;
	v27 =	vsub.f32 v48, v23;
	v59 =	vsub.f32 v31, v22  }
0xfc: {  	v61 =	vsub.f32 v50, v21;
	v25 =	vmul.f32 v25, v26;
	v60 =	vmul.f32 v24, v24  }
0xfd: {  	v26 =	vsub.f32 v43, v21;
	v27 =	vmul.f32 v27, v27;
	v35 =	vmul.f32 v59, v59  }
0xfe: {  	v54 =	vmul.f32 $1.442695020e+00, v51;
	v62 =	vmul.f32 v61, v61;
	v24 =	vsel vm1, $0x0, v25  }
0xff: {  	v25 =	vmul.f32 v26, v26;
	v34 =	vadd.f32 v34, v60;
	v27 =	vadd.f32 v35, v27  }
0x100: {  	v55 =	vsub.f32 v46, v48;
	(erf) = vpow2.f32 v54;
	v40 =	vpop (erf);
	v30 =	vsub.f32 v30, v31  }
0x101: {  	v41 =	vpop (erf);
	v31 =	vmul.f32 $1.442695020e+00, v53;
	v25 =	vadd.f32 v25, v34;
	v27 =	vadd.f32 v62, v27  }
0x102: {  	v32 =	vsub.f32 v43, v50;
	v42 =	vpop (erf);
	v30 =	vmul.f32 v30, v30;
	v35 =	vmul.f32 v29, v40  }
0x103: {  	v26 =	vpop (erf);
	v39 =	vadd.f32 $9.999999960e-13, v25;
	v38 =	vadd.f32 $9.999999960e-13, v27;
	v25 =	vmul.f32 $1.442695020e+00, v52  }
0x104: {  	s20 =	simm.s32 $0x3;
	v34 =	vmul.f32 v55, v55;
	v63 =	vmul.f32 v24, v26;
	v26 =	vimm.f32 $0.0e+00  }
0x105: {  	v27 =	vor.u32 s20, v4;
	v56 =	vmul.f32 v38, v39;
	(erf) = vpow2.f32 v25  }
0x106: {  	v30 =	vadd.f32 v30, v34;
	v25 =	vmul.f32 v32, v32;
	v44 =	vmul.f32 $3.999999910e-02, v39  }
0x107: {  	v28 =	vld.idx.msk [tilespmem:v28+s25+$0x0], $0xffff;
	v32 =	vmul.f32 v29, v41;
	v57 =	vshra.s32 v56, $0x1;
	v46 =	vmul.f32 $5.000000000e-01, v56  }
0x108: {  	(erf) = vpow2.f32 v31;
	v31 =	vadd.f32 v33, v26;
	v58 =	vsub.s32 $0x5F3759DF, v57  }
0x109: {  	v43 =	vmul.f32 $3.999999910e-02, v38;
	v30 =	vadd.f32 v25, v30;
	v59 =	vmul.f32 v58, v46  }
0x10a: {  	v62 =	vmul.f32 $1.593910740e-03, v44;
	v49 =	vld.idx.msk [tilespmem:v27+s23+$0x0], $0xffff;
	v25 =	vadd.f32 v63, v31;
	v31 =	vmul.f32 v29, v42  }
0x10b: {  	v60 =	vld.idx.msk [tilespmem:v27+s24+$0x0], $0xffff;
	v29 =	vmul.f32 $1.593910740e-03, v43;
	v61 =	vmul.f32 v58, v59  }
0x10c: {  	vm0 =	veq.f32 v28, $0.0e+00;
	v40 =	vadd.f32 $9.999999960e-13, v30;
	v28 =	vadd.f32 $-2.535898420e-02, v62  }
0x10d: {  	v29 =	vadd.f32 $-2.535898420e-02, v29;
	v30 =	vsub.f32 $1.500000000e+00, v61  }
0x10e: {  	v42 =	vmul.f32 $3.999999910e-02, v40;
	v28 =	vmul.f32 v28, v44  }
0x10f: {  	v41 =	vld.idx.msk [tilespmem:v27+s21+$0x0], $0xffff;
	v56 =	vmul.f32 v29, v43;
	v29 =	vimm.f32 $0.0e+00;
	v51 =	vmul.f32 v58, v30  }
0x110: {  	v45 =	vld.idx.msk [tilespmem:v27+s22+$0x0], $0xffff;
	v52 =	vadd.s32 v6, v49;
	v48 =	vadd.s32 v6, v60;
	v63 =	vmul.f32 $1.593910740e-03, v42  }
0x111: {  	v53 =	vadd.s32 v1, v49;
	v50 =	vadd.s32 v1, v60;
	v30 =	vpop (erf);
	v57 =	vmul.f32 v51, v46  }
0x112: {  	v54 =	vadd.f32 $2.350298020e-01, v28;
	v49 =	vadd.s32 v5, v49;
	v55 =	vadd.f32 $-2.535898420e-02, v63;
	v33 =	vpop (erf)  }
0x113: {  	s0 =	simm.s32 $0x4;
	v47 =	vadd.s32 v5, v60;
	v28 =	vimm.f32 $0.0e+00;
	v34 =	vpop (erf);
	v57 =	vmul.f32 v57, v51  }
.LBB2_5:
0x114: {  	p0 =	sne.s32 s0, $0xFF;
	v54 =	vmul.f32 v54, v44;
	v56 =	vadd.f32 $2.350298020e-01, v56;
	v55 =	vmul.f32 v55, v42  }
0x115: {  	v58 =	vmul.u32 $0x3, v41;
	v59 =	vmul.u32 $0x3, v45;
	v60 =	vld.idx.msk [tilespmem:v37+s19+$0x0], $0xffff;
	v57 =	vsub.f32 $1.500000000e+00, v57;
	v37 =	vmovc v45  }
0x116: {  	v45 =	vadd.f32 $-1.335158470e+00, v54;
	v54 =	vmul.f32 v56, v43;
	v55 =	vadd.f32 $2.350298020e-01, v55  }
0x117: {  	v56 =	vadd.s32 $0x2, v58;
	v61 =	vadd.s32 $0x2, v59;
	v62 =	vld.idx.msk [tilespmem:v36+s19+$0x0], $0xffff;
	v51 =	vmul.f32 v57, v51;
	v36 =	vmovc v41  }
0x118: {  	v41 =	vmul.f32 v45, v44;
	v45 =	vadd.f32 $-1.335158470e+00, v54;
	v54 =	vmul.f32 v55, v42  }
0x119: {  	v57 =	vadd.s32 $0x1, v59;
	v55 =	vadd.s32 $0x1, v58;
	v52 =	vld.idx.msk [tilespmem:v52+s28+$0x0], $0xffff;
	v46 =	vmul.f32 v51, v46  }
0x11a: {  	v53 =	vld.idx.msk [tilespmem:v53+s28+$0x0], $0xffff;
	v41 =	vadd.f32 $4.058694840e+00, v41;
	v45 =	vmul.f32 v45, v43;
	v54 =	vadd.f32 $-1.335158470e+00, v54  }
0x11b: {  	v63 =	vadd.f32 v38, v39;
	v60 =	vcvt.s32.f32 v60;
	v58 =	vld.idx.msk [tilespmem:v58+s2+$0x0], $0xffff;
	v46 =	vmul.f32 v46, v51  }
0x11c: {  	v50 =	vld.idx.msk [tilespmem:v50+s28+$0x0], $0xffff;
	v41 =	vmul.f32 v41, v44;
	v45 =	vadd.f32 $4.058694840e+00, v45;
	v54 =	vmul.f32 v54, v42  }
0x11d: {  	v7 =	vsub.f32 v63, v40;
	v62 =	vcvt.s32.f32 v62;
	v59 =	vld.idx.msk [tilespmem:v59+s2+$0x0], $0xffff;
	v46 =	vsub.f32 $1.500000000e+00, v46  }
0x11e: {  	v48 =	vld.idx.msk [tilespmem:v48+s28+$0x0], $0xffff;
	v41 =	vadd.f32 $-4.934801100e+00, v41;
	v45 =	vmul.f32 v45, v43;
	v54 =	vadd.f32 $4.058694840e+00, v54  }
0x11f: {  	v63 =	vadd.f32 v63, v40;
	v7 =	vmul.f32 $5.000000000e-01, v7;
	v56 =	vld.idx.msk [tilespmem:v56+s2+$0x0], $0xffff;
	v46 =	vmul.f32 v46, v51  }
0x120: {  	v49 =	vld.idx.msk [tilespmem:v49+s28+$0x0], $0xffff;
	v41 =	vmul.f32 v41, v44;
	v44 =	vadd.f32 $-4.934801100e+00, v45;
	v45 =	vmul.f32 v54, v42  }
0x121: {  	v53 =	vadd.f32 v53, v58;
	v51 =	vld.idx.msk [tilespmem:v61+s2+$0x0], $0xffff;
	v7 =	vmul.f32 v46, v7;
	v46 =	vmul.f32 v63, v20  }
0x122: {  	v47 =	vld.idx.msk [tilespmem:v47+s28+$0x0], $0xffff;
	v41 =	vadd.f32 $1.000000000e+00, v41;
	v43 =	vmul.f32 v44, v43;
	v44 =	vadd.f32 $-4.934801100e+00, v45  }
0x123: {  	v50 =	vadd.f32 v50, v59;
	v45 =	vld.idx.msk [tilespmem:v55+s2+$0x0], $0xffff;
	v7 =	vsub.f32 $1.000000000e+00, v7;
	v46 =	vmul.f32 $1.442695020e+00, v46  }
0x124: {  	v54 =	vld.idx.msk [tilespmem:v57+s2+$0x0], $0xffff;
	v41 =	vmul.f32 $5.000000000e-01, v41;
	v43 =	vadd.f32 $1.000000000e+00, v43;
	v42 =	vmul.f32 v44, v42  }
0x125: {  	v44 =	vadd.f32 v52, v56;
	v7 =	vmul.f32 v62, v7;
	(erf) = vpow2.f32 v46  }
0x126: {  	v41 =	vadd.f32 $5.000000000e-01, v41;
	v43 =	vmul.f32 $5.000000000e-01, v43;
	v42 =	vadd.f32 $1.000000000e+00, v42  }
0x127: {  	vm1 =	vlt.f32 v39, $2.500000000e+01;
	v46 =	vadd.f32 v48, v51;
	v7 =	vmul.f32 v60, v7  }
0x128: {  	v39 =	vnsel vm1, $0x0, v41;
	v41 =	vadd.f32 $5.000000000e-01, v43;
	v42 =	vmul.f32 $5.000000000e-01, v42  }
0x129: {  	v43 =	vadd.f32 v49, v45;
	vm1 =	vlt.f32 v38, $2.500000000e+01;
	v7 =	vmul.f32 v7, v39  }
0x12a: {  	v45 =	vadd.f32 v47, v54;
	v38 =	vnsel vm1, $0x0, v41;
	v39 =	vadd.f32 $5.000000000e-01, v42  }
0x12b: {  	v41 =	vsub.f32 v53, v23;
	vm1 =	vlt.f32 v40, $2.500000000e+01;
	v7 =	vmul.f32 v7, v38  }
0x12c: {  	v40 =	vsub.f32 v50, v23;
	v38 =	vsub.f32 v44, v21;
	v39 =	vnsel vm1, $0x0, v39  }
0x12d: {  	v42 =	vsub.f32 v43, v22;
	v47 =	vsub.f32 v45, v22;
	v7 =	vmul.f32 v7, v39  }
0x12e: {  	v41 =	vmul.f32 v41, v41;
	v40 =	vmul.f32 v40, v40;
	v39 =	vsub.f32 v46, v21;
	v48 =	vpop (erf)  }
0x12f: {  	v42 =	vmul.f32 v42, v42;
	v47 =	vmul.f32 v47, v47;
	v7 =	vsel vm0, $0x0, v7  }
0x130: {  	v26 =	vadd.f32 v35, v26;
	v38 =	vmul.f32 v38, v38;
	v48 =	vmul.f32 v7, v48  }
0x131: {  	v35 =	vadd.f32 v42, v41;
	v40 =	vadd.f32 v47, v40;
	v39 =	vmul.f32 v39, v39  }
0x132: {  	v41 =	vmul.f32 v63, v17;
	v42 =	vmul.f32 v63, v18;
	v25 =	vadd.f32 v48, v25  }
0x133: {  	v35 =	vadd.f32 v38, v35;
	v38 =	vadd.f32 v39, v40;
	v40 =	vmul.f32 v63, v19  }
0x134: {  	v29 =	vadd.f32 v32, v29;
	v41 =	vmul.f32 $1.442695020e+00, v41;
	v42 =	vmul.f32 $1.442695020e+00, v42  }
0x135: {  	v32 =	vor.u32 s0, v4;
	v39 =	vadd.f32 $9.999999960e-13, v35;
	v38 =	vadd.f32 $9.999999960e-13, v38  }
0x136: {  	v43 =	vsub.f32 v43, v45;
	v35 =	vsub.f32 v53, v50;
	v40 =	vmul.f32 $1.442695020e+00, v40  }
0x137: {  	v28 =	vadd.f32 v31, v28;
	v45 =	vmul.f32 v38, v39;
	(erf) = vpow2.f32 v41  }
0x138: {  	v31 =	vsub.f32 v44, v46;
	v35 =	vmul.f32 v35, v35;
	v41 =	vmul.f32 v43, v43  }
0x139: {  	v43 =	vshra.s32 v45, $0x1;
	v46 =	vmul.f32 $5.000000000e-01, v45;
	v47 =	vld.idx.msk [tilespmem:v27+s25+$0x0], $0xffff;
	(erf) = vpow2.f32 v42;
	v27 =	vmovc v32  }
0x13a: {  	v31 =	vmul.f32 v31, v31;
	v50 =	vsub.s32 $0x5F3759DF, v43;
	v35 =	vadd.f32 v41, v35;
	v49 =	vld.idx.msk [tilespmem:v32+s23+$0x0], $0xffff  }
0x13b: {  	v57 =	vld.idx.msk [tilespmem:v32+s24+$0x0], $0xffff;
	v32 =	vmul.f32 v50, v46;
	(erf) = vpow2.f32 v40  }
0x13c: {  	v44 =	vmul.f32 $3.999999910e-02, v39;
	v31 =	vadd.f32 v31, v35;
	v35 =	vmul.f32 v24, v30  }
0x13d: {  	v45 =	vmul.f32 v50, v32;
	v32 =	vmul.f32 v24, v33  }
0x13e: {  	v43 =	vmul.f32 $3.999999910e-02, v38;
	v40 =	vadd.f32 $9.999999960e-13, v31;
	v33 =	vmul.f32 $1.593910740e-03, v44  }
0x13f: {  	v31 =	vmul.f32 v24, v34;
	v24 =	vmovc v7;
	vm0 =	veq.f32 v47, $0.0e+00;
	v51 =	vsub.f32 $1.500000000e+00, v45  }
0x140: {  	v53 =	vmul.f32 $1.593910740e-03, v43;
	v7 =	vadd.f32 $-2.535898420e-02, v33;
	v42 =	vmul.f32 $3.999999910e-02, v40;
	v41 =	vld.idx.msk [tilespmem:v27+s21+$0x0], $0xffff;
	v30 =	vpop (erf)  }
.Ltmp1:
0x141: {  	v52 =	vadd.s32 v6, v49;
	v48 =	vadd.s32 v6, v57;
	v45 =	vld.idx.msk [tilespmem:v27+s22+$0x0], $0xffff;
	v51 =	vmul.f32 v50, v51;
	(pc) =	sbr.rel @p0 .LBB2_5-.Ltmp1, $4  }
0x142: {  	v59 =	vadd.f32 $-2.535898420e-02, v53;
	v7 =	vmul.f32 v7, v44;
	v47 =	vmul.f32 $1.593910740e-03, v42;
	v33 =	vpop (erf)  }
0x143: {  	v53 =	vadd.s32 v1, v49;
	v50 =	vadd.s32 v1, v57;
	v58 =	vmul.f32 v51, v46  }
0x144: {  	v56 =	vmul.f32 v59, v43;
	v54 =	vadd.f32 $2.350298020e-01, v7;
	v55 =	vadd.f32 $-2.535898420e-02, v47;
	v34 =	vpop (erf)  }
0x145: {  	s0 =	sadd.s32 $0x1, s0;
	v49 =	vadd.s32 v5, v49;
	v47 =	vadd.s32 v5, v57;
	v57 =	vmul.f32 v58, v51  }
0x146: {  	_ =	sdelay $0x3  }
0x147: {  	v7 =	vmul.u32 $0x3, v41;
	v37 =	vld.idx.msk [tilespmem:v37+s19+$0x0], $0xffff  }
0x148: {  	v58 =	vmul.u32 $0x3, v45;
	v36 =	vld.idx.msk [tilespmem:v36+s19+$0x0], $0xffff;
	v56 =	vadd.f32 $2.350298020e-01, v56  }
0x149: {  	v52 =	vld.idx.msk [tilespmem:v52+s28+$0x0], $0xffff;
	v54 =	vmul.f32 v54, v44;
	v55 =	vmul.f32 v55, v42  }
0x14a: {  	v53 =	vld.idx.msk [tilespmem:v53+s28+$0x0], $0xffff;
	v57 =	vsub.f32 $1.500000000e+00, v57;
	v59 =	vadd.s32 $0x2, v7;
	v56 =	vmul.f32 v56, v43  }
0x14b: {  	v50 =	vld.idx.msk [tilespmem:v50+s28+$0x0], $0xffff;
	v61 =	vadd.s32 $0x2, v58;
	v54 =	vadd.f32 $-1.335158470e+00, v54;
	v55 =	vadd.f32 $2.350298020e-01, v55  }
0x14c: {  	v48 =	vld.idx.msk [tilespmem:v48+s28+$0x0], $0xffff;
	v30 =	vmul.f32 v24, v30;
	v51 =	vmul.f32 v57, v51;
	v57 =	vadd.s32 $0x1, v58  }
0x14d: {  	v56 =	vadd.f32 $-1.335158470e+00, v56;
	v54 =	vmul.f32 v54, v44;
	v55 =	vmul.f32 v55, v42;
	v60 =	vld.idx.msk [tilespmem:v7+s2+$0x0], $0xffff  }
0x14e: {  	vm1 =	vlt.f32 v39, $2.500000000e+01;
	v46 =	vmul.f32 v51, v46;
	v37 =	vcvt.s32.f32 v37;
	v62 =	vld.idx.msk [tilespmem:v58+s2+$0x0], $0xffff  }
0x14f: {  	v7 =	vadd.s32 $0x1, v7;
	v56 =	vmul.f32 v56, v43;
	v54 =	vadd.f32 $4.058694840e+00, v54;
	v58 =	vld.idx.msk [tilespmem:v59+s2+$0x0], $0xffff  }
0x150: {  	v55 =	vadd.f32 $-1.335158470e+00, v55;
	v59 =	vld.idx.msk [tilespmem:v61+s2+$0x0], $0xffff;
	v61 =	vadd.f32 v38, v39;
	v46 =	vmul.f32 v46, v51  }
0x151: {  	v47 =	vld.idx.msk [tilespmem:v47+s28+$0x0], $0xffff;
	v36 =	vcvt.s32.f32 v36;
	v56 =	vadd.f32 $4.058694840e+00, v56;
	v54 =	vmul.f32 v54, v44  }
0x152: {  	v55 =	vmul.f32 v55, v42;
	v57 =	vld.idx.msk [tilespmem:v57+s2+$0x0], $0xffff;
	v63 =	vsub.f32 v61, v40;
	v46 =	vsub.f32 $1.500000000e+00, v46  }
0x153: {  	v49 =	vld.idx.msk [tilespmem:v49+s28+$0x0], $0xffff;
	v61 =	vadd.f32 v61, v40;
	v56 =	vmul.f32 v56, v43;
	v54 =	vadd.f32 $-4.934801100e+00, v54  }
0x154: {  	v55 =	vadd.f32 $4.058694840e+00, v55;
	v7 =	vld.idx.msk [tilespmem:v7+s2+$0x0], $0xffff;
	v46 =	vmul.f32 v46, v51;
	v51 =	vadd.f32 v53, v60  }
0x155: {  	v63 =	vmul.f32 $5.000000000e-01, v63;
	v50 =	vadd.f32 v50, v62;
	v56 =	vadd.f32 $-4.934801100e+00, v56  }
0x156: {  	v44 =	vmul.f32 v54, v44;
	v52 =	vadd.f32 v52, v58;
	v48 =	vadd.f32 v48, v59  }
0x157: {  	v53 =	vmul.f32 v55, v42;
	v47 =	vadd.f32 v47, v57;
	v62 =	vsub.f32 v51, v23  }
0x158: {  	v54 =	vmul.f32 v61, v20;
	v23 =	vsub.f32 v50, v23;
	v60 =	vsub.f32 v52, v21  }
0x159: {  	v46 =	vmul.f32 v46, v63;
	v21 =	vsub.f32 v48, v21;
	v7 =	vadd.f32 v49, v7  }
0x15a: {  	v44 =	vadd.f32 $1.000000000e+00, v44;
	v59 =	vmul.f32 $1.442695020e+00, v54;
	v23 =	vmul.f32 v23, v23  }
0x15b: {  	v49 =	vmul.f32 v62, v62;
	v63 =	vsub.f32 v7, v22;
	v22 =	vsub.f32 v47, v22  }
0x15c: {  	v46 =	vsub.f32 $1.000000000e+00, v46;
	v62 =	vmul.f32 v56, v43;
	v21 =	vmul.f32 v21, v21  }
0x15d: {  	vm10 =	vlt.f32 v38, $2.500000000e+01;
	v55 =	vmul.f32 v63, v63;
	v22 =	vmul.f32 v22, v22  }
0x15e: {  	vm11 =	vlt.f32 v40, $2.500000000e+01;
	v44 =	vmul.f32 $5.000000000e-01, v44;
	v36 =	vmul.f32 v36, v46  }
0x15f: {  	v63 =	vmul.f32 v60, v60;
	v49 =	vadd.f32 v55, v49;
	v22 =	vadd.f32 v22, v23  }
0x160: {  	(erf) = vpow2.f32 v59;
	v7 =	vsub.f32 v7, v47;
	v23 =	vadd.f32 $-4.934801100e+00, v53  }
0x161: {  	v36 =	vmul.f32 v37, v36;
	v49 =	vadd.f32 v63, v49;
	v21 =	vadd.f32 v21, v22  }
0x162: {  	v60 =	vadd.f32 $5.000000000e-01, v44;
	v7 =	vmul.f32 v7, v7;
	v22 =	vadd.f32 $1.000000000e+00, v62  }
0x163: {  	v23 =	vmul.f32 v23, v42;
	v42 =	vadd.f32 $9.999999960e-13, v49;
	v21 =	vadd.f32 $9.999999960e-13, v21  }
0x164: {  	v62 =	vsub.f32 v51, v50;
	v51 =	vnsel vm1, $0x0, v60;
	v60 =	vmul.f32 v61, v17  }
0x165: {  	v29 =	vadd.f32 v32, v29;
	v36 =	vmul.f32 v36, v51;
	v63 =	vmul.f32 v21, v42  }
0x166: {  	v22 =	vmul.f32 $5.000000000e-01, v22;
	v23 =	vadd.f32 $1.000000000e+00, v23;
	v49 =	vsub.f32 v52, v48  }
0x167: {  	v44 =	vmul.f32 v62, v62;
	v50 =	vshra.s32 v63, $0x1;
	v46 =	vmul.f32 $5.000000000e-01, v63  }
0x168: {  	v62 =	vmul.f32 v61, v18;
	v39 =	vmul.f32 v49, v49;
	v52 =	vsub.s32 $0x5F3759DF, v50  }
0x169: {  	v7 =	vadd.f32 v7, v44;
	v47 =	vmul.f32 $3.999999910e-02, v42;
	v53 =	vmul.f32 v52, v46  }
0x16a: {  	v22 =	vadd.f32 $5.000000000e-01, v22;
	v23 =	vmul.f32 $5.000000000e-01, v23;
	v48 =	vmul.f32 $1.442695020e+00, v62  }
0x16b: {  	v7 =	vadd.f32 v39, v7;
	v55 =	vmul.f32 $1.593910740e-03, v47;
	v54 =	vmul.f32 v52, v53  }
0x16c: {  	v39 =	vmul.f32 $3.999999910e-02, v21;
	v22 =	vnsel vm10, $0x0, v22;
	v23 =	vadd.f32 $5.000000000e-01, v23  }
0x16d: {  	v63 =	vmul.f32 v61, v19;
	v7 =	vadd.f32 $9.999999960e-13, v7;
	v37 =	vsub.f32 $1.500000000e+00, v54  }
0x16e: {  	v22 =	vmul.f32 v36, v22;
	v56 =	vadd.f32 $-2.535898420e-02, v55;
	v57 =	vmul.f32 $1.593910740e-03, v39  }
0x16f: {  	v23 =	vnsel vm11, $0x0, v23;
	v55 =	vld.idx.msk [tilespmem:v41+s19+$0x0], $0xffff;
	v44 =	vmul.f32 $3.999999910e-02, v7;
	v37 =	vmul.f32 v52, v37  }
0x170: {  	v22 =	vmul.f32 v22, v23;
	v36 =	vmul.f32 v56, v47;
	v38 =	vadd.f32 $-2.535898420e-02, v57  }
0x171: {  	v28 =	vadd.f32 v31, v28;
	v58 =	vmul.f32 $1.593910740e-03, v44;
	v43 =	vmul.f32 v37, v46  }
0x172: {  	v23 =	vadd.f32 $2.350298020e-01, v36;
	v59 =	vmul.f32 v38, v39;
	v38 =	vmul.f32 $1.442695020e+00, v60  }
0x173: {  	v54 =	vadd.f32 v21, v42;
	v40 =	vadd.f32 $-2.535898420e-02, v58;
	v43 =	vmul.f32 v43, v37  }
0x174: {  	v41 =	vcvt.s32.f32 v55;
	v23 =	vmul.f32 v23, v47;
	v36 =	vadd.f32 $2.350298020e-01, v59  }
0x175: {  	v53 =	vld.idx.msk [tilespmem:v45+s19+$0x0], $0xffff;
	v52 =	vmul.f32 $1.442695020e+00, v63;
	v40 =	vmul.f32 v40, v44;
	v43 =	vsub.f32 $1.500000000e+00, v43  }
0x176: {  	(erf) = vpow2.f32 v38;
	v23 =	vadd.f32 $-1.335158470e+00, v23;
	v36 =	vmul.f32 v36, v39  }
0x177: {  	v56 =	vsub.f32 v54, v7;
	v40 =	vadd.f32 $2.350298020e-01, v40;
	v37 =	vmul.f32 v43, v37  }
0x178: {  	(erf) = vpow2.f32 v48;
	v23 =	vmul.f32 v23, v47;
	v36 =	vadd.f32 $-1.335158470e+00, v36  }
0x179: {  	v45 =	vadd.f32 v54, v7;
	v40 =	vmul.f32 v40, v44;
	v46 =	vmul.f32 v37, v46  }
0x17a: {  	v38 =	vcvt.s32.f32 v53;
	v23 =	vadd.f32 $4.058694840e+00, v23;
	v36 =	vmul.f32 v36, v39  }
0x17b: {  	(erf) = vpow2.f32 v52;
	v40 =	vadd.f32 $-1.335158470e+00, v40;
	v46 =	vmul.f32 v46, v37  }
0x17c: {  	v57 =	vmul.f32 $5.000000000e-01, v56;
	v23 =	vmul.f32 v23, v47;
	v36 =	vadd.f32 $4.058694840e+00, v36  }
0x17d: {  	v58 =	vmul.f32 v45, v20;
	v40 =	vmul.f32 v40, v44;
	v46 =	vsub.f32 $1.500000000e+00, v46  }
0x17e: {  	v61 =	vmul.f32 v45, v17;
	v23 =	vadd.f32 $-4.934801100e+00, v23;
	v36 =	vmul.f32 v36, v39  }
0x17f: {  	v62 =	vmul.f32 v45, v18;
	v40 =	vadd.f32 $4.058694840e+00, v40;
	v37 =	vmul.f32 v46, v37  }
0x180: {  	v60 =	vmul.f32 $1.442695020e+00, v58;
	v23 =	vmul.f32 v23, v47;
	v36 =	vadd.f32 $-4.934801100e+00, v36  }
0x181: {  	vm12 =	vlt.f32 v42, $2.500000000e+01;
	v40 =	vmul.f32 v40, v44;
	v37 =	vmul.f32 v37, v57  }
0x182: {  	v63 =	vmul.f32 v45, v19;
	v23 =	vadd.f32 $1.000000000e+00, v23;
	v36 =	vmul.f32 v36, v39  }
0x183: {  	(erf) = vpow2.f32 v60;
	v59 =	vadd.f32 $-4.934801100e+00, v40;
	v37 =	vsub.f32 $1.000000000e+00, v37  }
0x184: {  	v23 =	vmul.f32 $5.000000000e-01, v23;
	v36 =	vadd.f32 $1.000000000e+00, v36;
	v40 =	vmul.f32 $1.442695020e+00, v61  }
0x185: {  	v27 =	vld.idx.msk [tilespmem:v27+s25+$0x0], $0xffff;
	vm13 =	vlt.f32 v21, $2.500000000e+01;
	v39 =	vmul.f32 v59, v44;
	v37 =	vmul.f32 v41, v37  }
0x186: {  	v23 =	vadd.f32 $5.000000000e-01, v23;
	v36 =	vmul.f32 $5.000000000e-01, v36;
	(erf) = vpow2.f32 v40  }
0x187: {  	v39 =	vadd.f32 $1.000000000e+00, v39;
	v37 =	vmul.f32 v38, v37;
	v38 =	vmul.f32 $1.442695020e+00, v62  }
0x188: {  	v50 =	vmov s1;
	v21 =	vmul.f32 $1.442695020e+00, v63;
	v23 =	vnsel vm12, $0x0, v23  }
0x189: {  	v36 =	vadd.f32 $5.000000000e-01, v36;
	v39 =	vmul.f32 $5.000000000e-01, v39;
	(erf) = vpow2.f32 v38  }
0x18a: {  	vm15 =	veq.f32 v27, $0.0e+00;
	v32 =	vshll.u32 v50, $0x3;
	v52 =	vld [tilespmem:$0x1FFF0];
	v23 =	vmul.f32 v37, v23  }
0x18b: {  	v36 =	vnsel vm13, $0x0, v36;
	v41 =	vpop (erf);
	v40 =	vadd.f32 $5.000000000e-01, v39;
	(erf) = vpow2.f32 v21  }
0x18c: {  	vm14 =	vlt.f32 v7, $2.500000000e+01;
	v45 =	vmul.f32 v24, v33;
	v43 =	vpop (erf);
	v23 =	vmul.f32 v23, v36  }
0x18d: {  	v22 =	vsel vm0, $0x0, v22;
	v44 =	vpop (erf);
	v42 =	vnsel vm14, $0x0, v40;
	v21 =	vadd.f32 v35, v26  }
0x18e: {  	v29 =	vadd.f32 v45, v29;
	v47 =	vmul.f32 v24, v34;
	v46 =	vpop (erf);
	v23 =	vmul.f32 v23, v42  }
0x18f: {  	v31 =	vor.u32 v52, v32;
	v49 =	vmul.f32 v22, v43;
	v48 =	vpop (erf);
	v21 =	vadd.f32 v30, v21  }
0x190: {  	v54 =	vor.u32 $0x1, v31;
	v24 =	vadd.f32 v47, v28;
	v51 =	vpop (erf);
	v23 =	vsel vm15, $0x0, v23  }
0x191: {  	v26 =	vmul.f32 v22, v44;
	v21 =	vadd.f32 v49, v21;
	v28 =	vmul.f32 v23, v51  }
0x192: {  	v56 =	vor.u32 $0x2, v31;
	v7 =	vmul.f32 v22, v41;
	v22 =	vmul.f32 v22, v46;
	v53 =	vpop (erf)  }
0x193: {  	v26 =	vadd.f32 v26, v29;
	v21 =	vadd.f32 v28, v21;
	v27 =	vmul.f32 v23, v53  }
0x194: {  	v58 =	vor.u32 $0x3, v31;
	v60 =	vor.u32 $0x4, v31;
	v22 =	vadd.f32 v22, v24;
	v55 =	vpop (erf)  }
0x195: {  	v57 =	vmul.f32 v23, v55;
	v59 =	vmul.f32 $4.000000000e+00, v21;
	v26 =	vadd.f32 v27, v26  }
0x196: {  	v62 =	vor.u32 $0x6, v31;
	v7 =	vadd.f32 v7, v25;
	[tilespmem:v31+s29+$0x0] =	vst.idx.msk $0xffff, v21;
	v21 =	vor.u32 $0x5, v31  }
0x197: {  	s31 =	sadd.s32 $0x1, s31;
	v23 =	vmul.f32 v23, v48;
	v22 =	vadd.f32 v57, v22;
	[tilespmem:v54+s29+$0x0] =	vst.idx.msk $0xffff, v59;
	v61 =	vmul.f32 $4.000000000e+00, v26  }
0x198: {  	p0 =	sne.s32 s31, $0x8;
	v63 =	vor.u32 $0x7, v31;
	[tilespmem:v56+s29+$0x0] =	vst.idx.msk $0xffff, v26  }
.Ltmp2:
0x199: {  	v7 =	vadd.f32 v23, v7;
	v23 =	vmul.f32 $4.000000000e+00, v22;
	[tilespmem:v58+s29+$0x0] =	vst.idx.msk $0xffff, v61;
	(pc) =	sbr.rel @p0 .LBB2_2-.Ltmp2, $4  }
0x19a: {  	[tilespmem:v60+s29+$0x0] =	vst.idx.msk $0xffff, v22  }
0x19b: {  	[tilespmem:v21+s29+$0x0] =	vst.idx.msk $0xffff, v23;
	v21 =	vmul.f32 $4.000000000e+00, v7  }
0x19c: {  	[tilespmem:v62+s29+$0x0] =	vst.idx.msk $0xffff, v7  }
0x19d: {  	[tilespmem:v63+s29+$0x0] =	vst.idx.msk $0xffff, v21  }
0x19e: {  	s30 =	sadd.s32 $0x1, s30  }
0x19f: {  	p0 =	sne.s32 s30, s15  }
.Ltmp3:
0x1a0: {  	s0 =	rddreg [dreg:$0x7];
	(pc) =	sbr.rel @p0 .LBB2_1-.Ltmp3, $4  }
0x1a1: {  	[hbm4b:s0+s16] =	stream.strided.scatter [tilespmem:s29], [sflag:$0x1], $0x400, s17, s16, $0x38;
	[tilespmem:$0x8C80] =	vst v63  }
0x1a2: {  	_ =	swait.ge [sflag:s18], $0x400  }
0x1a3: {  	[sflag:s18] =	ssyncset.done $0x0  }
0x1a4: {  	[sflag:s18] =	ssyncadd.s32 $0xFFFFFC00  }
0x1a5: {  	_ =	sfence.sel $0x180000  }
0x1a6: {  	[bflag:$0x0] =	sbarrier.arrive $0xFFFF  }
0x1a7: {  	_ =	strace $0x90000047  }
0x1a8: {  	s0 =	stileid.u32;
	[bflag:$0x2] =	sbarrier.arrive $0xFFFF  }
0x1a9: {  	p0 =	sne.s32 s0, $0x0;
	s0 =	rddreg [dreg:$0x3]  }
0x1aa: {  	s0 =	sadd.s32 @!p0 $0x100000, s0  }
0x1ab: {  	[sflag:s0] =	ssyncadd.tile.s32 @!p0 $0x1;
	_ =	shalt  }
.Lfunc_end2:
_tile_overlayer_lowered:
.L_overlay_start_2:
0x1ac: {  	(tag) =	ssettag $0x2  }
0x1ad: {  	s0 =	rddreg [dreg:$0x0];
	s2 =	stileid.u32  }
0x1ae: {  	s1 =	rddreg [dreg:$0x1];
	p0 =	sne.s32 s2, $0x0  }
0x1af: {  	s3 =	rddreg [dreg:$0x2];
	[bflag:$0x3] =	sbarrier.arrive $0xFFFF;
	s2 =	simm.s32 @!p0 $0x1C01  }
0x1b0: {  	[timem:s3], [sflag:s2] =	dma.local @!p0 [hbm:s0], s1  }
0x1b1: {  	s0 =	simm.s32 @!p0 $0x1  }
0x1b2: {  	_ =	swait.ge @!p0 [sflag:s0], s1  }
0x1b3: {  	s1 =	ssub.s32 @!p0 $0x0, s1;
	[sflag:s0] =	ssyncset.done @!p0 $0x0  }
0x1b4: {  	[sflag:s0] =	ssyncadd.s32 @!p0 s1  }
0x1b5: {  	[bflag:$0x3] =	sbarrier.arrive $0xFFFF  }
0x1b6: {  	_ =	shalt  }

</sc_bundles>
